<compile_context>
chip_gen: v7x
topology: tpu7x:2x2x1
jax: 0.10.2.dev20260603
libtpu: 0.0.44.dev20260713+nightly
codegen_flags: <defaults>
</compile_context>

<pallas_src>
import functools

import jax
import jax.numpy as jnp
from jax import lax
from jax.experimental import pallas as pl
from jax.experimental.pallas import tpu as pltpu
from jax.experimental.pallas import tpu_sc as plsc

B = 16384
F = 26
V = 100000
D = 32
NNUM = 13
H1 = 512
H2 = 256
ED = F * D
ED2 = 896
EPS = 1e-5

NC = 2
NS = 16
NW = NC * NS
BPW = B // NW
KPW = BPW * F
GB = 8
CI = GB * F
NCH = BPW // GB
VK = 4096
NVB = -(-V // VK)
VB = NVB * 1024
TROWS = F * VB

BM = 1024
NT = B // BM


@functools.lru_cache(maxsize=None)
def _make_sc_gather():
    mesh = plsc.VectorSubcoreMesh(core_axis_name="c", subcore_axis_name="s",
                                  num_cores=NC, num_subcores=NS)

    @functools.partial(
        pl.kernel,
        mesh=mesh,
        out_type=jax.ShapeDtypeStruct((B * ED2,), jnp.float32),
        scratch_types=[
            pltpu.VMEM((KPW,), jnp.int32),
            pltpu.VMEM((KPW,), jnp.int32),
            pltpu.VMEM((KPW,), jnp.int32),
            pltpu.VMEM((CI, 128), jnp.float32),
            pltpu.VMEM((CI, 128), jnp.float32),
            pltpu.VMEM((GB * ED2,), jnp.float32),
            pltpu.SemaphoreType.DMA,
            pltpu.SemaphoreType.DMA,
        ],
        compiler_params=pltpu.CompilerParams(use_tc_tiling_on_sc=True,
                                             needs_layout_passes=False,
                                             disable_bounds_checks=True),
    )
    def _sc_gather(tp_hbm, jr_hbm, wc_hbm, db_hbm, out_hbm,
                   jv, wv, dv, buf0, buf1, stg, s0, s1):
        wid = lax.axis_index("s") * NC + lax.axis_index("c")
        i0 = wid * KPW
        b0 = wid * BPW
        pltpu.sync_copy(jr_hbm.at[pl.ds(i0, KPW)], jv)
        pltpu.sync_copy(wc_hbm.at[pl.ds(i0, KPW)], wv)
        pltpu.sync_copy(db_hbm.at[pl.ds(i0, KPW)], dv)

        lanes = lax.iota(jnp.int32, 16)
        zero16 = jnp.zeros((16,), jnp.float32)

        def zpad(i, carry):
            r = i // 4
            base = r * ED2 + ED + (i % 4) * 16
            plsc.store_scatter(stg, [base + lanes], zero16)
            return carry
        lax.fori_loop(0, GB * 4, zpad, 0)

        def extract(c, buf):
            def grp(t, carry):
                k0 = c * CI + t * 16
                wvv = wv[pl.ds(k0, 16)]
                dvv = dv[pl.ds(k0, 16)]
                for u in range(16):
                    p = t * 16 + u
                    off = wvv[u]
                    dst = dvv[u]
                    stg[pl.ds(dst, 16)] = buf[p, pl.ds(off, 16)]
                    stg[pl.ds(dst + 16, 16)] = buf[p, pl.ds(off + 16, 16)]
                return carry
            lax.fori_loop(0, CI // 16, grp, 0)
            pltpu.sync_copy(stg, out_hbm.at[pl.ds((b0 + c * GB) * ED2,
                                                  GB * ED2)])

        def gidx(c):
            return jv.at[pl.ds(c * CI, CI)]

        pltpu.async_copy(tp_hbm.at[gidx(0)], buf0, s0)

        def body(h, carry):
            c0 = 2 * h
            pltpu.async_copy(tp_hbm.at[gidx(c0 + 1)], buf1, s1)
            pltpu.make_async_copy(tp_hbm.at[gidx(c0)], buf0, s0).wait()
            extract(c0, buf0)

            @pl.when(h < NCH // 2 - 1)
            def _():
                pltpu.async_copy(tp_hbm.at[gidx(c0 + 2)], buf0, s0)

            pltpu.make_async_copy(tp_hbm.at[gidx(c0 + 1)], buf1, s1).wait()
            extract(c0 + 1, buf1)
            return carry

        lax.fori_loop(0, NCH // 2, body, 0)

    return _sc_gather


def _gather(tpack, jrow, wcol, dstb):
    return _make_sc_gather()(tpack, jrow, wcol, dstb)


def _repack_body(r0, r1, r2, r3, out_ref):
    x = jnp.concatenate([r0[0], r1[0], r2[0], r3[0]], axis=0)
    out_ref[0] = x.T


def _repack_spec(m):
    nlb = V // 1024
    return pl.BlockSpec((1, D, 1024),
                        lambda f, j: (f, 0, jnp.minimum(4 * j + m, nlb)))


_repack = pl.pallas_call(
    _repack_body,
    grid=(F, NVB),
    in_specs=[_repack_spec(m) for m in range(4)],
    out_specs=pl.BlockSpec((1, 1024, 128), lambda f, j: (f, j, 0)),
    out_shape=jax.ShapeDtypeStruct((F, VB, 128), jnp.float32),
)


def _pack_tables(tables):
    tv = jnp.transpose(tables, (0, 2, 1))
    return _repack(tv, tv, tv, tv).reshape(TROWS, 128)


def _nt_dot(a, b):
    return lax.dot_general(a, b, (((1,), (1,)), ((), ())),
                           precision=lax.Precision.HIGHEST,
                           preferred_element_type=jnp.float32)


def _k1_body(emb_ref, xc_ref, w1e_ref, w1n_ref, b1_ref, gn_ref, bn_ref,
             h1_ref, st_ref):
    i = pl.program_id(0)
    xc = xc_ref[...]
    mu = jnp.mean(xc, axis=0, keepdims=True)
    ex2 = jnp.mean(xc * xc, axis=0, keepdims=True)
    var = ex2 - mu * mu
    sc = gn_ref[...] * lax.rsqrt(var + EPS)
    sh = bn_ref[...] - mu * sc
    xt = xc_ref[pl.ds(i * BM, BM), :] * sc + sh
    z = _nt_dot(emb_ref[...], w1e_ref[...]) + _nt_dot(xt, w1n_ref[...])
    h = jnp.maximum(z + b1_ref[...], 0.0)
    h1_ref[...] = h

    @pl.when(i == 0)
    def _():
        st_ref[...] = jnp.zeros_like(st_ref)

    st_ref[0:1, :] += jnp.sum(h, axis=0, keepdims=True)
    st_ref[1:2, :] += jnp.sum(h * h, axis=0, keepdims=True)


def _k2_body(h1_ref, st1_ref, w2_ref, b2_ref, g1_ref, be1_ref, h2_ref, st_ref):
    i = pl.program_id(0)
    mu = st1_ref[0:1, :] * (1.0 / B)
    var = st1_ref[1:2, :] * (1.0 / B) - mu * mu
    sc = g1_ref[...] * lax.rsqrt(var + EPS)
    sh = be1_ref[...] - mu * sc
    hn = h1_ref[...] * sc + sh
    h = jnp.maximum(_nt_dot(hn, w2_ref[...]) + b2_ref[...], 0.0)
    h2_ref[...] = h

    @pl.when(i == 0)
    def _():
        st_ref[...] = jnp.zeros_like(st_ref)

    st_ref[0:1, :] += jnp.sum(h, axis=0, keepdims=True)
    st_ref[1:2, :] += jnp.sum(h * h, axis=0, keepdims=True)


def _k3_body(h2_ref, st2_ref, wout_ref, bout_ref, g2_ref, be2_ref, out_ref):
    mu = st2_ref[0:1, :] * (1.0 / B)
    var = st2_ref[1:2, :] * (1.0 / B) - mu * mu
    sc = g2_ref[...] * lax.rsqrt(var + EPS)
    sh = be2_ref[...] - mu * sc
    hn = h2_ref[...] * sc + sh
    z = jnp.sum(hn * wout_ref[...], axis=1, keepdims=True) + bout_ref[...]
    out_ref[...] = 1.0 / (1.0 + jnp.exp(-z))


_k1 = pl.pallas_call(
    _k1_body,
    grid=(NT,),
    in_specs=[
        pl.BlockSpec((BM, ED2), lambda i: (i, 0)),
        pl.BlockSpec((B, NNUM), lambda i: (0, 0)),
        pl.BlockSpec((H1, ED2), lambda i: (0, 0)),
        pl.BlockSpec((H1, NNUM), lambda i: (0, 0)),
        pl.BlockSpec((1, H1), lambda i: (0, 0)),
        pl.BlockSpec((1, NNUM), lambda i: (0, 0)),
        pl.BlockSpec((1, NNUM), lambda i: (0, 0)),
    ],
    out_specs=[
        pl.BlockSpec((BM, H1), lambda i: (i, 0)),
        pl.BlockSpec((8, H1), lambda i: (0, 0)),
    ],
    out_shape=[
        jax.ShapeDtypeStruct((B, H1), jnp.float32),
        jax.ShapeDtypeStruct((8, H1), jnp.float32),
    ],
)

_k2 = pl.pallas_call(
    _k2_body,
    grid=(NT,),
    in_specs=[
        pl.BlockSpec((BM, H1), lambda i: (i, 0)),
        pl.BlockSpec((8, H1), lambda i: (0, 0)),
        pl.BlockSpec((H2, H1), lambda i: (0, 0)),
        pl.BlockSpec((1, H2), lambda i: (0, 0)),
        pl.BlockSpec((1, H1), lambda i: (0, 0)),
        pl.BlockSpec((1, H1), lambda i: (0, 0)),
    ],
    out_specs=[
        pl.BlockSpec((BM, H2), lambda i: (i, 0)),
        pl.BlockSpec((8, H2), lambda i: (0, 0)),
    ],
    out_shape=[
        jax.ShapeDtypeStruct((B, H2), jnp.float32),
        jax.ShapeDtypeStruct((8, H2), jnp.float32),
    ],
)

_k3 = pl.pallas_call(
    _k3_body,
    grid=(NT,),
    in_specs=[
        pl.BlockSpec((BM, H2), lambda i: (i, 0)),
        pl.BlockSpec((8, H2), lambda i: (0, 0)),
        pl.BlockSpec((1, H2), lambda i: (0, 0)),
        pl.BlockSpec((1, 1), lambda i: (0, 0)),
        pl.BlockSpec((1, H2), lambda i: (0, 0)),
        pl.BlockSpec((1, H2), lambda i: (0, 0)),
    ],
    out_specs=pl.BlockSpec((BM, 1), lambda i: (i, 0)),
    out_shape=jax.ShapeDtypeStruct((B, 1), jnp.float32),
)


def kernel(x_cat, x_cont, tables, W1, b1, g1, be1, W2, b2, g2, be2,
           Wout, bout, gnum, bnum):
    tpack = _pack_tables(tables)
    xc32 = x_cat.astype(jnp.int32)
    frow = (jnp.arange(F, dtype=jnp.int32) * VB)[None, :]
    jrow = (frow + (xc32 // VK) * 1024 + xc32 % 1024).reshape(-1)
    wcol = ((xc32 % VK) // 1024 * D).reshape(-1)
    kk = jnp.arange(B * F, dtype=jnp.int32)
    dstb = ((kk // F) % GB) * ED2 + (kk % F) * D

    emb = _gather(tpack, jrow, wcol, dstb).reshape(B, ED2)

    w1e = jnp.concatenate(
        [W1[:, :ED], jnp.zeros((H1, ED2 - ED), jnp.float32)], axis=1)
    w1n = W1[:, ED:]
    h1, st1 = _k1(emb, x_cont, w1e, w1n, b1.reshape(1, H1),
                  gnum.reshape(1, NNUM), bnum.reshape(1, NNUM))
    h2, st2 = _k2(h1, st1, W2, b2.reshape(1, H2),
                  g1.reshape(1, H1), be1.reshape(1, H1))
    out = _k3(h2, st2, Wout.reshape(1, H2), bout.reshape(1, 1),
              g2.reshape(1, H2), be2.reshape(1, H2))
    return out.reshape(B)

# --- scband reference (transcript-rebuilt; emitter-appended) ---
"""Pipeline reference for scband-model-59828894433905 (READ-ONLY COPY).

The authoritative reference and input builder live on the scoring server;
editing this copy changes nothing except your own understanding.
"""

import jax, jax.numpy as jnp
import numpy as np

B = 16384
F = 26
V = 100000
D = 32
NNUM = 13
H1 = 512
H2 = 256
IN_DIM = F * D + NNUM


def setup_inputs(seed: int = 0) -> dict:
    key = jax.random.key(seed)
    ks = jax.random.split(key, 12)
    x_cat = jax.random.randint(ks[0], (B, F), 0, V, dtype=jnp.int64) if jax.config.jax_enable_x64 else jax.random.randint(ks[0], (B, F), 0, V, dtype=jnp.int32)
    x_cont = jax.random.normal(ks[1], (B, NNUM), dtype=jnp.float32)
    tables = jax.random.normal(ks[2], (F, V, D), dtype=jnp.float32) * 0.05
    W1 = jax.random.normal(ks[3], (H1, IN_DIM), dtype=jnp.float32) * (2.0 / IN_DIM) ** 0.5
    b1 = jnp.zeros((H1,), jnp.float32)
    W2 = jax.random.normal(ks[4], (H2, H1), dtype=jnp.float32) * (2.0 / H1) ** 0.5
    b2 = jnp.zeros((H2,), jnp.float32)
    Wout = jax.random.normal(ks[5], (1, H2), dtype=jnp.float32) * (2.0 / H2) ** 0.5
    bout = jnp.zeros((1,), jnp.float32)
    gnum = jnp.ones((NNUM,), jnp.float32)
    bnum = jnp.zeros((NNUM,), jnp.float32)
    g1 = jnp.ones((H1,), jnp.float32)
    be1 = jnp.zeros((H1,), jnp.float32)
    g2 = jnp.ones((H2,), jnp.float32)
    be2 = jnp.zeros((H2,), jnp.float32)
    return {"x_cat": x_cat, "x_cont": x_cont, "tables": tables,
            "W1": W1, "b1": b1, "g1": g1, "be1": be1,
            "W2": W2, "b2": b2, "g2": g2, "be2": be2,
            "Wout": Wout, "bout": bout, "gnum": gnum, "bnum": bnum}


def _bn(x, g, b, eps=1e-5):
    m = jnp.mean(x, axis=0)
    v = jnp.var(x, axis=0)
    return (x - m) / jnp.sqrt(v + eps) * g + b


def reference(x_cat, x_cont, tables, W1, b1, g1, be1, W2, b2, g2, be2, Wout, bout, gnum, bnum):
    # per-field embedding lookup: tables[i][x_cat[:, i]] for each of F fields
    emb = jax.vmap(lambda t, idx: jnp.take(t, idx, axis=0), in_axes=(0, 1), out_axes=1)(tables, x_cat)
    emb = emb.reshape(emb.shape[0], -1)  # [B, F*D] (torch.cat of per-field embeddings)
    # embedding dropout: identity (p=0 / eval)
    x2 = _bn(x_cont, gnum, bnum)
    x = jnp.concatenate([emb, x2], axis=1)
    x = jax.nn.relu(x @ W1.T + b1)
    x = _bn(x, g1, be1)
    x = jax.nn.relu(x @ W2.T + b2)
    x = _bn(x, g2, be2)
    x = x @ Wout.T + bout
    x = jax.nn.sigmoid(x)
    # y_range = (0, 1): x * (1 - 0) + 0
    return jnp.squeeze(x)

if __name__ == "__main__":
    import jax
    _d = setup_inputs()
    print(jax.jit(kernel)(*tuple(_d.values())))

</pallas_src>

<mosaic_0001>
#map = affine_map<(d0, d1) -> (0, 0)>
#map1 = affine_map<(d0, d1) -> (0)>
module attributes {stable_mosaic.version = 14 : i64} {
  func.func @_sc_gather(%arg0: i32, %arg1: i32, %arg2: memref<665600x128xf32, #tpu.memory_space<hbm>>, %arg3: memref<425984xi32, #tpu.memory_space<hbm>>, %arg4: memref<425984xi32, #tpu.memory_space<hbm>>, %arg5: memref<425984xi32, #tpu.memory_space<hbm>>, %arg6: memref<14680064xf32, #tpu.memory_space<hbm>>, %arg7: memref<13312xi32, #tpu.memory_space<vmem>>, %arg8: memref<13312xi32, #tpu.memory_space<vmem>>, %arg9: memref<13312xi32, #tpu.memory_space<vmem>>, %arg10: memref<208x128xf32, #tpu.memory_space<vmem>>, %arg11: memref<208x128xf32, #tpu.memory_space<vmem>>, %arg12: memref<7168xf32, #tpu.memory_space<vmem>>, %arg13: memref<!tpu.dma_semaphore, #tpu.memory_space<semaphore_mem>>, %arg14: memref<!tpu.dma_semaphore, #tpu.memory_space<semaphore_mem>>) attributes {dimension_semantics = [#tpu.dimension_semantics<core_parallel>, #tpu.dimension_semantics<subcore_parallel>], iteration_bounds = array<i64: 2, 16>, scalar_prefetch = 0 : i64, scratch_operands = 8 : i64, tpu.core_type = #tpu.core_type<sc_vector_subcore>, window_params = [{transform_indices = #map}, {transform_indices = #map1}, {transform_indices = #map1}, {transform_indices = #map1}, {transform_indices = #map1}]} {
    %mul3A = arith.constant 2 : i32
    %mul3A_0 = arith.muli %arg1, %mul3A : i32
    %add3A = arith.addi %mul3A_0, %arg0 : i32
    %mul3A_1 = arith.constant 13312 : i32
    %mul3A_2 = arith.muli %add3A, %mul3A_1 : i32
    %mul3A_3 = arith.constant 512 : i32
    %mul3A_4 = arith.muli %add3A, %mul3A_3 : i32
    "tpu.region"() ({
      %run_scoped3A = tpu.sem_alloc : memref<!tpu.dma_semaphore, #tpu.memory_space<semaphore_mem>>
      %dma_start3A_21 = tpu.memref_slice %arg3[%mul3A_2] : memref<425984xi32, #tpu.memory_space<hbm>> -> memref<13312xi32, #tpu.memory_space<hbm>>
      %dma_start3A_22 = tpu.memref_slice %arg3[%mul3A_2] : memref<425984xi32, #tpu.memory_space<hbm>> -> memref<13312xi32, #tpu.memory_space<hbm>>
      tpu.enqueue_dma source(%dma_start3A_22 : memref<13312xi32, #tpu.memory_space<hbm>>) target(%arg7 : memref<13312xi32, #tpu.memory_space<vmem>>) target_semaphore(%run_scoped3A : memref<!tpu.dma_semaphore, #tpu.memory_space<semaphore_mem>>)
      %dma_wait3A = tpu.memref_slice %arg3[%mul3A_2] : memref<425984xi32, #tpu.memory_space<hbm>> -> memref<13312xi32, #tpu.memory_space<hbm>>
      %dma_wait3A_23 = tpu.memref_slice %arg3[%mul3A_2] : memref<425984xi32, #tpu.memory_space<hbm>> -> memref<13312xi32, #tpu.memory_space<hbm>>
      tpu.wait_dma2 semaphore(%run_scoped3A : memref<!tpu.dma_semaphore, #tpu.memory_space<semaphore_mem>>) src(%dma_wait3A_23 : memref<13312xi32, #tpu.memory_space<hbm>>) dst(%arg7 : memref<13312xi32, #tpu.memory_space<vmem>>)
      tpu.yield
    }) : () -> ()
    "tpu.region"() ({
      %run_scoped3A = tpu.sem_alloc : memref<!tpu.dma_semaphore, #tpu.memory_space<semaphore_mem>>
      %dma_start3A_21 = tpu.memref_slice %arg4[%mul3A_2] : memref<425984xi32, #tpu.memory_space<hbm>> -> memref<13312xi32, #tpu.memory_space<hbm>>
      %dma_start3A_22 = tpu.memref_slice %arg4[%mul3A_2] : memref<425984xi32, #tpu.memory_space<hbm>> -> memref<13312xi32, #tpu.memory_space<hbm>>
      tpu.enqueue_dma source(%dma_start3A_22 : memref<13312xi32, #tpu.memory_space<hbm>>) target(%arg8 : memref<13312xi32, #tpu.memory_space<vmem>>) target_semaphore(%run_scoped3A : memref<!tpu.dma_semaphore, #tpu.memory_space<semaphore_mem>>)
      %dma_wait3A = tpu.memref_slice %arg4[%mul3A_2] : memref<425984xi32, #tpu.memory_space<hbm>> -> memref<13312xi32, #tpu.memory_space<hbm>>
      %dma_wait3A_23 = tpu.memref_slice %arg4[%mul3A_2] : memref<425984xi32, #tpu.memory_space<hbm>> -> memref<13312xi32, #tpu.memory_space<hbm>>
      tpu.wait_dma2 semaphore(%run_scoped3A : memref<!tpu.dma_semaphore, #tpu.memory_space<semaphore_mem>>) src(%dma_wait3A_23 : memref<13312xi32, #tpu.memory_space<hbm>>) dst(%arg8 : memref<13312xi32, #tpu.memory_space<vmem>>)
      tpu.yield
    }) : () -> ()
    "tpu.region"() ({
      %run_scoped3A = tpu.sem_alloc : memref<!tpu.dma_semaphore, #tpu.memory_space<semaphore_mem>>
      %dma_start3A_21 = tpu.memref_slice %arg5[%mul3A_2] : memref<425984xi32, #tpu.memory_space<hbm>> -> memref<13312xi32, #tpu.memory_space<hbm>>
      %dma_start3A_22 = tpu.memref_slice %arg5[%mul3A_2] : memref<425984xi32, #tpu.memory_space<hbm>> -> memref<13312xi32, #tpu.memory_space<hbm>>
      tpu.enqueue_dma source(%dma_start3A_22 : memref<13312xi32, #tpu.memory_space<hbm>>) target(%arg9 : memref<13312xi32, #tpu.memory_space<vmem>>) target_semaphore(%run_scoped3A : memref<!tpu.dma_semaphore, #tpu.memory_space<semaphore_mem>>)
      %dma_wait3A = tpu.memref_slice %arg5[%mul3A_2] : memref<425984xi32, #tpu.memory_space<hbm>> -> memref<13312xi32, #tpu.memory_space<hbm>>
      %dma_wait3A_23 = tpu.memref_slice %arg5[%mul3A_2] : memref<425984xi32, #tpu.memory_space<hbm>> -> memref<13312xi32, #tpu.memory_space<hbm>>
      tpu.wait_dma2 semaphore(%run_scoped3A : memref<!tpu.dma_semaphore, #tpu.memory_space<semaphore_mem>>) src(%dma_wait3A_23 : memref<13312xi32, #tpu.memory_space<hbm>>) dst(%arg9 : memref<13312xi32, #tpu.memory_space<vmem>>)
      tpu.yield
    }) : () -> ()
    %iota3A = tpu.iota {dimensions = array<i32: 0>} : vector<16xi32>
    %broadcast_in_dim3A = arith.constant 0.000000e+00 : f32
    %broadcast_in_dim3A_5 = vector.broadcast %broadcast_in_dim3A : f32 to vector<16xf32>
    %scan3A = arith.constant 0 : i32
    %scan3A_6 = arith.constant 0 : i32
    %scan3A_7 = arith.constant 32 : i32
    %scan3A_8 = arith.addi %scan3A_6, %scan3A_7 : i32
    %scan3A_9 = arith.constant 1 : i32
    scf.for %scan3A_21 = %scan3A_6 to %scan3A_8 step %scan3A_9  : i32 {
      %jit3A = arith.constant 4 : i32
      %div3A = arith.divsi %scan3A_21, %jit3A : i32
      %sign3A = arith.constant 0 : i32
      %sign3A_22 = arith.cmpi sgt, %scan3A_21, %sign3A : i32
      %sign3A_23 = arith.extui %sign3A_22 : i1 to i32
      %sign3A_24 = arith.constant 0 : i32
      %sign3A_25 = arith.cmpi slt, %scan3A_21, %sign3A_24 : i32
      %sign3A_26 = arith.extui %sign3A_25 : i1 to i32
      %sign3A_27 = arith.subi %sign3A_23, %sign3A_26 : i32
      %sign3A_28 = arith.constant 0 : i32
      %sign3A_29 = arith.cmpi sgt, %jit3A, %sign3A_28 : i32
      %sign3A_30 = arith.extui %sign3A_29 : i1 to i32
      %sign3A_31 = arith.constant 0 : i32
      %sign3A_32 = arith.cmpi slt, %jit3A, %sign3A_31 : i32
      %sign3A_33 = arith.extui %sign3A_32 : i1 to i32
      %sign3A_34 = arith.subi %sign3A_30, %sign3A_33 : i32
      %ne3A = arith.cmpi ne, %sign3A_27, %sign3A_34 : i32
      %rem3A = arith.remsi %scan3A_21, %jit3A : i32
      %ne3A_35 = arith.constant 0 : i32
      %ne3A_36 = arith.cmpi ne, %rem3A, %ne3A_35 : i32
      %and3A = arith.andi %ne3A, %ne3A_36 : i1
      %sub3A = arith.constant 1 : i32
      %sub3A_37 = arith.subi %div3A, %sub3A : i32
      %select_n3A = arith.select %and3A, %sub3A_37, %div3A : i32
      %mul3A_38 = arith.constant 896 : i32
      %mul3A_39 = arith.muli %select_n3A, %mul3A_38 : i32
      %add3A_40 = arith.constant 832 : i32
      %add3A_41 = arith.addi %mul3A_39, %add3A_40 : i32
      %jit3A_42 = arith.constant 4 : i32
      %eq3A = arith.constant 0 : i32
      %eq3A_43 = arith.cmpi eq, %jit3A_42, %eq3A : i32
      %jit3A_44 = arith.constant 1 : i32
      %select_n3A_45 = arith.select %eq3A_43, %jit3A_44, %jit3A_42 : i32
      %rem3A_46 = arith.remsi %scan3A_21, %select_n3A_45 : i32
      %ne3A_47 = arith.constant 0 : i32
      %ne3A_48 = arith.cmpi ne, %rem3A_46, %ne3A_47 : i32
      %lt3A = arith.constant 0 : i32
      %lt3A_49 = arith.cmpi slt, %rem3A_46, %lt3A : i32
      %lt3A_50 = arith.constant 0 : i32
      %lt3A_51 = arith.cmpi slt, %select_n3A_45, %lt3A_50 : i32
      %ne3A_52 = arith.xori %lt3A_49, %lt3A_51 : i1
      %and3A_53 = arith.andi %ne3A_52, %ne3A_48 : i1
      %add3A_54 = arith.addi %rem3A_46, %select_n3A_45 : i32
      %select_n3A_55 = arith.select %and3A_53, %add3A_54, %rem3A_46 : i32
      %mul3A_56 = arith.constant 16 : i32
      %mul3A_57 = arith.muli %select_n3A_55, %mul3A_56 : i32
      %add3A_58 = arith.addi %add3A_41, %mul3A_57 : i32
      %add3A_59 = vector.broadcast %add3A_58 : i32 to vector<16xi32>
      %add3A_60 = arith.addi %add3A_59, %iota3A : vector<16xi32>
      tpu.vector_store_idx %arg12[%add3A_60], %broadcast_in_dim3A_5 : memref<7168xf32, #tpu.memory_space<vmem>>[vector<16xi32>], vector<16xf32>,
    }
    %scan3A_10 = arith.constant 32 : i32
    %dma_start3A = arith.constant 0 : i32
    %dma_start3A_11 = tpu.memref_slice %arg7[%dma_start3A] : memref<13312xi32, #tpu.memory_space<vmem>> -> memref<208xi32, #tpu.memory_space<vmem>>
    %dma_start3A_12 = arith.constant 0 : i32
    %dma_start3A_13 = arith.constant 0 : i32
    %dma_start3A_14 = tpu.memref_slice %arg2[%dma_start3A_12, %dma_start3A_13] : memref<665600x128xf32, #tpu.memory_space<hbm>> -> memref<665600x128xf32, #tpu.memory_space<hbm>>
    tpu.enqueue_indirect_dma source(%dma_start3A_14 : memref<665600x128xf32, #tpu.memory_space<hbm>>) target(%arg10 : memref<208x128xf32, #tpu.memory_space<vmem>>) offsets(%dma_start3A_11 : memref<208xi32, #tpu.memory_space<vmem>>) semaphore(%arg13 : memref<!tpu.dma_semaphore, #tpu.memory_space<semaphore_mem>>)
    %scan3A_15 = arith.constant 0 : i32
    %scan3A_16 = arith.constant 0 : i32
    %scan3A_17 = arith.constant 32 : i32
    %scan3A_18 = arith.addi %scan3A_16, %scan3A_17 : i32
    %scan3A_19 = arith.constant 1 : i32
    scf.for %scan3A_21 = %scan3A_16 to %scan3A_18 step %scan3A_19  : i32 {
      %mul3A_22 = arith.constant 2 : i32
      %mul3A_23 = arith.muli %mul3A_22, %scan3A_21 : i32
      %add3A_24 = arith.constant 1 : i32
      %add3A_25 = arith.addi %mul3A_23, %add3A_24 : i32
      %mul3A_26 = arith.constant 208 : i32
      %mul3A_27 = arith.muli %add3A_25, %mul3A_26 : i32
      %dma_start3A_28 = tpu.memref_slice %arg7[%mul3A_27] : memref<13312xi32, #tpu.memory_space<vmem>> -> memref<208xi32, #tpu.memory_space<vmem>>
      %dma_start3A_29 = arith.constant 0 : i32
      %dma_start3A_30 = arith.constant 0 : i32
      %dma_start3A_31 = tpu.memref_slice %arg2[%dma_start3A_29, %dma_start3A_30] : memref<665600x128xf32, #tpu.memory_space<hbm>> -> memref<665600x128xf32, #tpu.memory_space<hbm>>
      tpu.enqueue_indirect_dma source(%dma_start3A_31 : memref<665600x128xf32, #tpu.memory_space<hbm>>) target(%arg11 : memref<208x128xf32, #tpu.memory_space<vmem>>) offsets(%dma_start3A_28 : memref<208xi32, #tpu.memory_space<vmem>>) semaphore(%arg14 : memref<!tpu.dma_semaphore, #tpu.memory_space<semaphore_mem>>)
      %mul3A_32 = arith.constant 208 : i32
      %mul3A_33 = arith.muli %mul3A_23, %mul3A_32 : i32
      %dma_wait3A = tpu.memref_slice %arg7[%mul3A_33] : memref<13312xi32, #tpu.memory_space<vmem>> -> memref<208xi32, #tpu.memory_space<vmem>>
      %dma_wait3A_34 = arith.constant 0 : i32
      %dma_wait3A_35 = arith.constant 0 : i32
      %dma_wait3A_36 = tpu.memref_slice %arg2[%dma_wait3A_34, %dma_wait3A_35] : memref<665600x128xf32, #tpu.memory_space<hbm>> -> memref<665600x128xf32, #tpu.memory_space<hbm>>
      tpu.wait_indirect_dma semaphore(%arg13 : memref<!tpu.dma_semaphore, #tpu.memory_space<semaphore_mem>>) src(%dma_wait3A_36 : memref<665600x128xf32, #tpu.memory_space<hbm>>) dst(%arg10 : memref<208x128xf32, #tpu.memory_space<vmem>>)
      %scan3A_37 = arith.constant 0 : i32
      %scan3A_38 = arith.constant 0 : i32
      %scan3A_39 = arith.constant 13 : i32
      %scan3A_40 = arith.addi %scan3A_38, %scan3A_39 : i32
      %scan3A_41 = arith.constant 1 : i32
      scf.for %scan3A_71 = %scan3A_38 to %scan3A_40 step %scan3A_41  : i32 {
        %mul3A_72 = arith.constant 208 : i32
        %mul3A_73 = arith.muli %mul3A_23, %mul3A_72 : i32
        %mul3A_74 = arith.constant 16 : i32
        %mul3A_75 = arith.muli %scan3A_71, %mul3A_74 : i32
        %add3A_76 = arith.addi %mul3A_73, %mul3A_75 : i32
        %get3A = arith.index_cast %add3A_76 : i32 to index
        %get3A_77 = tpu.vector_load %arg8[%get3A] {strides = array<i32>} : memref<13312xi32, #tpu.memory_space<vmem>>, vector<16xi32>,
        %get3A_78 = arith.index_cast %add3A_76 : i32 to index
        %get3A_79 = tpu.vector_load %arg9[%get3A_78] {strides = array<i32>} : memref<13312xi32, #tpu.memory_space<vmem>>, vector<16xi32>,
        %mul3A_80 = arith.constant 16 : i32
        %mul3A_81 = arith.muli %scan3A_71, %mul3A_80 : i32
        %add3A_82 = arith.constant 0 : i32
        %add3A_83 = arith.addi %mul3A_81, %add3A_82 : i32
        %slice3A = vector.extract_strided_slice %get3A_77 {offsets = [0], sizes = [1], strides = [1]} : vector<16xi32> to vector<1xi32>
        %squeeze3A = vector.extract %slice3A[0] : i32 from vector<1xi32>
        %slice3A_84 = vector.extract_strided_slice %get3A_79 {offsets = [0], sizes = [1], strides = [1]} : vector<16xi32> to vector<1xi32>
        %squeeze3A_85 = vector.extract %slice3A_84[0] : i32 from vector<1xi32>
        %get3A_86 = arith.index_cast %add3A_83 : i32 to index
        %get3A_87 = arith.index_cast %squeeze3A : i32 to index
        %get3A_88 = tpu.vector_load %arg10[%get3A_86, %get3A_87] {strides = array<i32>} : memref<208x128xf32, #tpu.memory_space<vmem>>, vector<16xf32>,
        %swap3A = arith.index_cast %squeeze3A_85 : i32 to index
        %swap3A_89 = tpu.vector_load %arg12[%swap3A] {strides = array<i32>} : memref<7168xf32, #tpu.memory_space<vmem>>, vector<16xf32>,
        tpu.vector_store %arg12[%swap3A], %get3A_88 {strides = array<i32>} : memref<7168xf32, #tpu.memory_space<vmem>>, vector<16xf32>,
        %add3A_90 = arith.constant 16 : i32
        %add3A_91 = arith.addi %squeeze3A, %add3A_90 : i32
        %get3A_92 = arith.index_cast %add3A_83 : i32 to index
        %get3A_93 = arith.index_cast %add3A_91 : i32 to index
        %get3A_94 = tpu.vector_load %arg10[%get3A_92, %get3A_93] {strides = array<i32>} : memref<208x128xf32, #tpu.memory_space<vmem>>, vector<16xf32>,
        %add3A_95 = arith.constant 16 : i32
        %add3A_96 = arith.addi %squeeze3A_85, %add3A_95 : i32
        %swap3A_97 = arith.index_cast %add3A_96 : i32 to index
        %swap3A_98 = tpu.vector_load %arg12[%swap3A_97] {strides = array<i32>} : memref<7168xf32, #tpu.memory_space<vmem>>, vector<16xf32>,
        tpu.vector_store %arg12[%swap3A_97], %get3A_94 {strides = array<i32>} : memref<7168xf32, #tpu.memory_space<vmem>>, vector<16xf32>,
        %mul3A_99 = arith.constant 16 : i32
        %mul3A_100 = arith.muli %scan3A_71, %mul3A_99 : i32
        %add3A_101 = arith.constant 1 : i32
        %add3A_102 = arith.addi %mul3A_100, %add3A_101 : i32
        %slice3A_103 = vector.extract_strided_slice %get3A_77 {offsets = [1], sizes = [1], strides = [1]} : vector<16xi32> to vector<1xi32>
        %squeeze3A_104 = vector.extract %slice3A_103[0] : i32 from vector<1xi32>
        %slice3A_105 = vector.extract_strided_slice %get3A_79 {offsets = [1], sizes = [1], strides = [1]} : vector<16xi32> to vector<1xi32>
        %squeeze3A_106 = vector.extract %slice3A_105[0] : i32 from vector<1xi32>
        %get3A_107 = arith.index_cast %add3A_102 : i32 to index
        %get3A_108 = arith.index_cast %squeeze3A_104 : i32 to index
        %get3A_109 = tpu.vector_load %arg10[%get3A_107, %get3A_108] {strides = array<i32>} : memref<208x128xf32, #tpu.memory_space<vmem>>, vector<16xf32>,
        %swap3A_110 = arith.index_cast %squeeze3A_106 : i32 to index
        %swap3A_111 = tpu.vector_load %arg12[%swap3A_110] {strides = array<i32>} : memref<7168xf32, #tpu.memory_space<vmem>>, vector<16xf32>,
        tpu.vector_store %arg12[%swap3A_110], %get3A_109 {strides = array<i32>} : memref<7168xf32, #tpu.memory_space<vmem>>, vector<16xf32>,
        %add3A_112 = arith.constant 16 : i32
        %add3A_113 = arith.addi %squeeze3A_104, %add3A_112 : i32
        %get3A_114 = arith.index_cast %add3A_102 : i32 to index
        %get3A_115 = arith.index_cast %add3A_113 : i32 to index
        %get3A_116 = tpu.vector_load %arg10[%get3A_114, %get3A_115] {strides = array<i32>} : memref<208x128xf32, #tpu.memory_space<vmem>>, vector<16xf32>,
        %add3A_117 = arith.constant 16 : i32
        %add3A_118 = arith.addi %squeeze3A_106, %add3A_117 : i32
        %swap3A_119 = arith.index_cast %add3A_118 : i32 to index
        %swap3A_120 = tpu.vector_load %arg12[%swap3A_119] {strides = array<i32>} : memref<7168xf32, #tpu.memory_space<vmem>>, vector<16xf32>,
        tpu.vector_store %arg12[%swap3A_119], %get3A_116 {strides = array<i32>} : memref<7168xf32, #tpu.memory_space<vmem>>, vector<16xf32>,
        %mul3A_121 = arith.constant 16 : i32
        %mul3A_122 = arith.muli %scan3A_71, %mul3A_121 : i32
        %add3A_123 = arith.constant 2 : i32
        %add3A_124 = arith.addi %mul3A_122, %add3A_123 : i32
        %slice3A_125 = vector.extract_strided_slice %get3A_77 {offsets = [2], sizes = [1], strides = [1]} : vector<16xi32> to vector<1xi32>
        %squeeze3A_126 = vector.extract %slice3A_125[0] : i32 from vector<1xi32>
        %slice3A_127 = vector.extract_strided_slice %get3A_79 {offsets = [2], sizes = [1], strides = [1]} : vector<16xi32> to vector<1xi32>
        %squeeze3A_128 = vector.extract %slice3A_127[0] : i32 from vector<1xi32>
        %get3A_129 = arith.index_cast %add3A_124 : i32 to index
        %get3A_130 = arith.index_cast %squeeze3A_126 : i32 to index
        %get3A_131 = tpu.vector_load %arg10[%get3A_129, %get3A_130] {strides = array<i32>} : memref<208x128xf32, #tpu.memory_space<vmem>>, vector<16xf32>,
        %swap3A_132 = arith.index_cast %squeeze3A_128 : i32 to index
        %swap3A_133 = tpu.vector_load %arg12[%swap3A_132] {strides = array<i32>} : memref<7168xf32, #tpu.memory_space<vmem>>, vector<16xf32>,
        tpu.vector_store %arg12[%swap3A_132], %get3A_131 {strides = array<i32>} : memref<7168xf32, #tpu.memory_space<vmem>>, vector<16xf32>,
        %add3A_134 = arith.constant 16 : i32
        %add3A_135 = arith.addi %squeeze3A_126, %add3A_134 : i32
        %get3A_136 = arith.index_cast %add3A_124 : i32 to index
        %get3A_137 = arith.index_cast %add3A_135 : i32 to index
        %get3A_138 = tpu.vector_load %arg10[%get3A_136, %get3A_137] {strides = array<i32>} : memref<208x128xf32, #tpu.memory_space<vmem>>, vector<16xf32>,
        %add3A_139 = arith.constant 16 : i32
        %add3A_140 = arith.addi %squeeze3A_128, %add3A_139 : i32
        %swap3A_141 = arith.index_cast %add3A_140 : i32 to index
        %swap3A_142 = tpu.vector_load %arg12[%swap3A_141] {strides = array<i32>} : memref<7168xf32, #tpu.memory_space<vmem>>, vector<16xf32>,
        tpu.vector_store %arg12[%swap3A_141], %get3A_138 {strides = array<i32>} : memref<7168xf32, #tpu.memory_space<vmem>>, vector<16xf32>,
        %mul3A_143 = arith.constant 16 : i32
        %mul3A_144 = arith.muli %scan3A_71, %mul3A_143 : i32
        %add3A_145 = arith.constant 3 : i32
        %add3A_146 = arith.addi %mul3A_144, %add3A_145 : i32
        %slice3A_147 = vector.extract_strided_slice %get3A_77 {offsets = [3], sizes = [1], strides = [1]} : vector<16xi32> to vector<1xi32>
        %squeeze3A_148 = vector.extract %slice3A_147[0] : i32 from vector<1xi32>
        %slice3A_149 = vector.extract_strided_slice %get3A_79 {offsets = [3], sizes = [1], strides = [1]} : vector<16xi32> to vector<1xi32>
        %squeeze3A_150 = vector.extract %slice3A_149[0] : i32 from vector<1xi32>
        %get3A_151 = arith.index_cast %add3A_146 : i32 to index
        %get3A_152 = arith.index_cast %squeeze3A_148 : i32 to index
        %get3A_153 = tpu.vector_load %arg10[%get3A_151, %get3A_152] {strides = array<i32>} : memref<208x128xf32, #tpu.memory_space<vmem>>, vector<16xf32>,
        %swap3A_154 = arith.index_cast %squeeze3A_150 : i32 to index
        %swap3A_155 = tpu.vector_load %arg12[%swap3A_154] {strides = array<i32>} : memref<7168xf32, #tpu.memory_space<vmem>>, vector<16xf32>,
        tpu.vector_store %arg12[%swap3A_154], %get3A_153 {strides = array<i32>} : memref<7168xf32, #tpu.memory_space<vmem>>, vector<16xf32>,
        %add3A_156 = arith.constant 16 : i32
        %add3A_157 = arith.addi %squeeze3A_148, %add3A_156 : i32
        %get3A_158 = arith.index_cast %add3A_146 : i32 to index
        %get3A_159 = arith.index_cast %add3A_157 : i32 to index
        %get3A_160 = tpu.vector_load %arg10[%get3A_158, %get3A_159] {strides = array<i32>} : memref<208x128xf32, #tpu.memory_space<vmem>>, vector<16xf32>,
        %add3A_161 = arith.constant 16 : i32
        %add3A_162 = arith.addi %squeeze3A_150, %add3A_161 : i32
        %swap3A_163 = arith.index_cast %add3A_162 : i32 to index
        %swap3A_164 = tpu.vector_load %arg12[%swap3A_163] {strides = array<i32>} : memref<7168xf32, #tpu.memory_space<vmem>>, vector<16xf32>,
        tpu.vector_store %arg12[%swap3A_163], %get3A_160 {strides = array<i32>} : memref<7168xf32, #tpu.memory_space<vmem>>, vector<16xf32>,
        %mul3A_165 = arith.constant 16 : i32
        %mul3A_166 = arith.muli %scan3A_71, %mul3A_165 : i32
        %add3A_167 = arith.constant 4 : i32
        %add3A_168 = arith.addi %mul3A_166, %add3A_167 : i32
        %slice3A_169 = vector.extract_strided_slice %get3A_77 {offsets = [4], sizes = [1], strides = [1]} : vector<16xi32> to vector<1xi32>
        %squeeze3A_170 = vector.extract %slice3A_169[0] : i32 from vector<1xi32>
        %slice3A_171 = vector.extract_strided_slice %get3A_79 {offsets = [4], sizes = [1], strides = [1]} : vector<16xi32> to vector<1xi32>
        %squeeze3A_172 = vector.extract %slice3A_171[0] : i32 from vector<1xi32>
        %get3A_173 = arith.index_cast %add3A_168 : i32 to index
        %get3A_174 = arith.index_cast %squeeze3A_170 : i32 to index
        %get3A_175 = tpu.vector_load %arg10[%get3A_173, %get3A_174] {strides = array<i32>} : memref<208x128xf32, #tpu.memory_space<vmem>>, vector<16xf32>,
        %swap3A_176 = arith.index_cast %squeeze3A_172 : i32 to index
        %swap3A_177 = tpu.vector_load %arg12[%swap3A_176] {strides = array<i32>} : memref<7168xf32, #tpu.memory_space<vmem>>, vector<16xf32>,
        tpu.vector_store %arg12[%swap3A_176], %get3A_175 {strides = array<i32>} : memref<7168xf32, #tpu.memory_space<vmem>>, vector<16xf32>,
        %add3A_178 = arith.constant 16 : i32
        %add3A_179 = arith.addi %squeeze3A_170, %add3A_178 : i32
        %get3A_180 = arith.index_cast %add3A_168 : i32 to index
        %get3A_181 = arith.index_cast %add3A_179 : i32 to index
        %get3A_182 = tpu.vector_load %arg10[%get3A_180, %get3A_181] {strides = array<i32>} : memref<208x128xf32, #tpu.memory_space<vmem>>, vector<16xf32>,
        %add3A_183 = arith.constant 16 : i32
        %add3A_184 = arith.addi %squeeze3A_172, %add3A_183 : i32
        %swap3A_185 = arith.index_cast %add3A_184 : i32 to index
        %swap3A_186 = tpu.vector_load %arg12[%swap3A_185] {strides = array<i32>} : memref<7168xf32, #tpu.memory_space<vmem>>, vector<16xf32>,
        tpu.vector_store %arg12[%swap3A_185], %get3A_182 {strides = array<i32>} : memref<7168xf32, #tpu.memory_space<vmem>>, vector<16xf32>,
        %mul3A_187 = arith.constant 16 : i32
        %mul3A_188 = arith.muli %scan3A_71, %mul3A_187 : i32
        %add3A_189 = arith.constant 5 : i32
        %add3A_190 = arith.addi %mul3A_188, %add3A_189 : i32
        %slice3A_191 = vector.extract_strided_slice %get3A_77 {offsets = [5], sizes = [1], strides = [1]} : vector<16xi32> to vector<1xi32>
        %squeeze3A_192 = vector.extract %slice3A_191[0] : i32 from vector<1xi32>
        %slice3A_193 = vector.extract_strided_slice %get3A_79 {offsets = [5], sizes = [1], strides = [1]} : vector<16xi32> to vector<1xi32>
        %squeeze3A_194 = vector.extract %slice3A_193[0] : i32 from vector<1xi32>
        %get3A_195 = arith.index_cast %add3A_190 : i32 to index
        %get3A_196 = arith.index_cast %squeeze3A_192 : i32 to index
        %get3A_197 = tpu.vector_load %arg10[%get3A_195, %get3A_196] {strides = array<i32>} : memref<208x128xf32, #tpu.memory_space<vmem>>, vector<16xf32>,
        %swap3A_198 = arith.index_cast %squeeze3A_194 : i32 to index
        %swap3A_199 = tpu.vector_load %arg12[%swap3A_198] {strides = array<i32>} : memref<7168xf32, #tpu.memory_space<vmem>>, vector<16xf32>,
        tpu.vector_store %arg12[%swap3A_198], %get3A_197 {strides = array<i32>} : memref<7168xf32, #tpu.memory_space<vmem>>, vector<16xf32>,
        %add3A_200 = arith.constant 16 : i32
        %add3A_201 = arith.addi %squeeze3A_192, %add3A_200 : i32
        %get3A_202 = arith.index_cast %add3A_190 : i32 to index
        %get3A_203 = arith.index_cast %add3A_201 : i32 to index
        %get3A_204 = tpu.vector_load %arg10[%get3A_202, %get3A_203] {strides = array<i32>} : memref<208x128xf32, #tpu.memory_space<vmem>>, vector<16xf32>,
        %add3A_205 = arith.constant 16 : i32
        %add3A_206 = arith.addi %squeeze3A_194, %add3A_205 : i32
        %swap3A_207 = arith.index_cast %add3A_206 : i32 to index
        %swap3A_208 = tpu.vector_load %arg12[%swap3A_207] {strides = array<i32>} : memref<7168xf32, #tpu.memory_space<vmem>>, vector<16xf32>,
        tpu.vector_store %arg12[%swap3A_207], %get3A_204 {strides = array<i32>} : memref<7168xf32, #tpu.memory_space<vmem>>, vector<16xf32>,
        %mul3A_209 = arith.constant 16 : i32
        %mul3A_210 = arith.muli %scan3A_71, %mul3A_209 : i32
        %add3A_211 = arith.constant 6 : i32
        %add3A_212 = arith.addi %mul3A_210, %add3A_211 : i32
        %slice3A_213 = vector.extract_strided_slice %get3A_77 {offsets = [6], sizes = [1], strides = [1]} : vector<16xi32> to vector<1xi32>
        %squeeze3A_214 = vector.extract %slice3A_213[0] : i32 from vector<1xi32>
        %slice3A_215 = vector.extract_strided_slice %get3A_79 {offsets = [6], sizes = [1], strides = [1]} : vector<16xi32> to vector<1xi32>
        %squeeze3A_216 = vector.extract %slice3A_215[0] : i32 from vector<1xi32>
        %get3A_217 = arith.index_cast %add3A_212 : i32 to index
        %get3A_218 = arith.index_cast %squeeze3A_214 : i32 to index
        %get3A_219 = tpu.vector_load %arg10[%get3A_217, %get3A_218] {strides = array<i32>} : memref<208x128xf32, #tpu.memory_space<vmem>>, vector<16xf32>,
        %swap3A_220 = arith.index_cast %squeeze3A_216 : i32 to index
        %swap3A_221 = tpu.vector_load %arg12[%swap3A_220] {strides = array<i32>} : memref<7168xf32, #tpu.memory_space<vmem>>, vector<16xf32>,
        tpu.vector_store %arg12[%swap3A_220], %get3A_219 {strides = array<i32>} : memref<7168xf32, #tpu.memory_space<vmem>>, vector<16xf32>,
        %add3A_222 = arith.constant 16 : i32
        %add3A_223 = arith.addi %squeeze3A_214, %add3A_222 : i32
        %get3A_224 = arith.index_cast %add3A_212 : i32 to index
        %get3A_225 = arith.index_cast %add3A_223 : i32 to index
        %get3A_226 = tpu.vector_load %arg10[%get3A_224, %get3A_225] {strides = array<i32>} : memref<208x128xf32, #tpu.memory_space<vmem>>, vector<16xf32>,
        %add3A_227 = arith.constant 16 : i32
        %add3A_228 = arith.addi %squeeze3A_216, %add3A_227 : i32
        %swap3A_229 = arith.index_cast %add3A_228 : i32 to index
        %swap3A_230 = tpu.vector_load %arg12[%swap3A_229] {strides = array<i32>} : memref<7168xf32, #tpu.memory_space<vmem>>, vector<16xf32>,
        tpu.vector_store %arg12[%swap3A_229], %get3A_226 {strides = array<i32>} : memref<7168xf32, #tpu.memory_space<vmem>>, vector<16xf32>,
        %mul3A_231 = arith.constant 16 : i32
        %mul3A_232 = arith.muli %scan3A_71, %mul3A_231 : i32
        %add3A_233 = arith.constant 7 : i32
        %add3A_234 = arith.addi %mul3A_232, %add3A_233 : i32
        %slice3A_235 = vector.extract_strided_slice %get3A_77 {offsets = [7], sizes = [1], strides = [1]} : vector<16xi32> to vector<1xi32>
        %squeeze3A_236 = vector.extract %slice3A_235[0] : i32 from vector<1xi32>
        %slice3A_237 = vector.extract_strided_slice %get3A_79 {offsets = [7], sizes = [1], strides = [1]} : vector<16xi32> to vector<1xi32>
        %squeeze3A_238 = vector.extract %slice3A_237[0] : i32 from vector<1xi32>
        %get3A_239 = arith.index_cast %add3A_234 : i32 to index
        %get3A_240 = arith.index_cast %squeeze3A_236 : i32 to index
        %get3A_241 = tpu.vector_load %arg10[%get3A_239, %get3A_240] {strides = array<i32>} : memref<208x128xf32, #tpu.memory_space<vmem>>, vector<16xf32>,
        %swap3A_242 = arith.index_cast %squeeze3A_238 : i32 to index
        %swap3A_243 = tpu.vector_load %arg12[%swap3A_242] {strides = array<i32>} : memref<7168xf32, #tpu.memory_space<vmem>>, vector<16xf32>,
        tpu.vector_store %arg12[%swap3A_242], %get3A_241 {strides = array<i32>} : memref<7168xf32, #tpu.memory_space<vmem>>, vector<16xf32>,
        %add3A_244 = arith.constant 16 : i32
        %add3A_245 = arith.addi %squeeze3A_236, %add3A_244 : i32
        %get3A_246 = arith.index_cast %add3A_234 : i32 to index
        %get3A_247 = arith.index_cast %add3A_245 : i32 to index
        %get3A_248 = tpu.vector_load %arg10[%get3A_246, %get3A_247] {strides = array<i32>} : memref<208x128xf32, #tpu.memory_space<vmem>>, vector<16xf32>,
        %add3A_249 = arith.constant 16 : i32
        %add3A_250 = arith.addi %squeeze3A_238, %add3A_249 : i32
        %swap3A_251 = arith.index_cast %add3A_250 : i32 to index
        %swap3A_252 = tpu.vector_load %arg12[%swap3A_251] {strides = array<i32>} : memref<7168xf32, #tpu.memory_space<vmem>>, vector<16xf32>,
        tpu.vector_store %arg12[%swap3A_251], %get3A_248 {strides = array<i32>} : memref<7168xf32, #tpu.memory_space<vmem>>, vector<16xf32>,
        %mul3A_253 = arith.constant 16 : i32
        %mul3A_254 = arith.muli %scan3A_71, %mul3A_253 : i32
        %add3A_255 = arith.constant 8 : i32
        %add3A_256 = arith.addi %mul3A_254, %add3A_255 : i32
        %slice3A_257 = vector.extract_strided_slice %get3A_77 {offsets = [8], sizes = [1], strides = [1]} : vector<16xi32> to vector<1xi32>
        %squeeze3A_258 = vector.extract %slice3A_257[0] : i32 from vector<1xi32>
        %slice3A_259 = vector.extract_strided_slice %get3A_79 {offsets = [8], sizes = [1], strides = [1]} : vector<16xi32> to vector<1xi32>
        %squeeze3A_260 = vector.extract %slice3A_259[0] : i32 from vector<1xi32>
        %get3A_261 = arith.index_cast %add3A_256 : i32 to index
        %get3A_262 = arith.index_cast %squeeze3A_258 : i32 to index
        %get3A_263 = tpu.vector_load %arg10[%get3A_261, %get3A_262] {strides = array<i32>} : memref<208x128xf32, #tpu.memory_space<vmem>>, vector<16xf32>,
        %swap3A_264 = arith.index_cast %squeeze3A_260 : i32 to index
        %swap3A_265 = tpu.vector_load %arg12[%swap3A_264] {strides = array<i32>} : memref<7168xf32, #tpu.memory_space<vmem>>, vector<16xf32>,
        tpu.vector_store %arg12[%swap3A_264], %get3A_263 {strides = array<i32>} : memref<7168xf32, #tpu.memory_space<vmem>>, vector<16xf32>,
        %add3A_266 = arith.constant 16 : i32
        %add3A_267 = arith.addi %squeeze3A_258, %add3A_266 : i32
        %get3A_268 = arith.index_cast %add3A_256 : i32 to index
        %get3A_269 = arith.index_cast %add3A_267 : i32 to index
        %get3A_270 = tpu.vector_load %arg10[%get3A_268, %get3A_269] {strides = array<i32>} : memref<208x128xf32, #tpu.memory_space<vmem>>, vector<16xf32>,
        %add3A_271 = arith.constant 16 : i32
        %add3A_272 = arith.addi %squeeze3A_260, %add3A_271 : i32
        %swap3A_273 = arith.index_cast %add3A_272 : i32 to index
        %swap3A_274 = tpu.vector_load %arg12[%swap3A_273] {strides = array<i32>} : memref<7168xf32, #tpu.memory_space<vmem>>, vector<16xf32>,
        tpu.vector_store %arg12[%swap3A_273], %get3A_270 {strides = array<i32>} : memref<7168xf32, #tpu.memory_space<vmem>>, vector<16xf32>,
        %mul3A_275 = arith.constant 16 : i32
        %mul3A_276 = arith.muli %scan3A_71, %mul3A_275 : i32
        %add3A_277 = arith.constant 9 : i32
        %add3A_278 = arith.addi %mul3A_276, %add3A_277 : i32
        %slice3A_279 = vector.extract_strided_slice %get3A_77 {offsets = [9], sizes = [1], strides = [1]} : vector<16xi32> to vector<1xi32>
        %squeeze3A_280 = vector.extract %slice3A_279[0] : i32 from vector<1xi32>
        %slice3A_281 = vector.extract_strided_slice %get3A_79 {offsets = [9], sizes = [1], strides = [1]} : vector<16xi32> to vector<1xi32>
        %squeeze3A_282 = vector.extract %slice3A_281[0] : i32 from vector<1xi32>
        %get3A_283 = arith.index_cast %add3A_278 : i32 to index
        %get3A_284 = arith.index_cast %squeeze3A_280 : i32 to index
        %get3A_285 = tpu.vector_load %arg10[%get3A_283, %get3A_284] {strides = array<i32>} : memref<208x128xf32, #tpu.memory_space<vmem>>, vector<16xf32>,
        %swap3A_286 = arith.index_cast %squeeze3A_282 : i32 to index
        %swap3A_287 = tpu.vector_load %arg12[%swap3A_286] {strides = array<i32>} : memref<7168xf32, #tpu.memory_space<vmem>>, vector<16xf32>,
        tpu.vector_store %arg12[%swap3A_286], %get3A_285 {strides = array<i32>} : memref<7168xf32, #tpu.memory_space<vmem>>, vector<16xf32>,
        %add3A_288 = arith.constant 16 : i32
        %add3A_289 = arith.addi %squeeze3A_280, %add3A_288 : i32
        %get3A_290 = arith.index_cast %add3A_278 : i32 to index
        %get3A_291 = arith.index_cast %add3A_289 : i32 to index
        %get3A_292 = tpu.vector_load %arg10[%get3A_290, %get3A_291] {strides = array<i32>} : memref<208x128xf32, #tpu.memory_space<vmem>>, vector<16xf32>,
        %add3A_293 = arith.constant 16 : i32
        %add3A_294 = arith.addi %squeeze3A_282, %add3A_293 : i32
        %swap3A_295 = arith.index_cast %add3A_294 : i32 to index
        %swap3A_296 = tpu.vector_load %arg12[%swap3A_295] {strides = array<i32>} : memref<7168xf32, #tpu.memory_space<vmem>>, vector<16xf32>,
        tpu.vector_store %arg12[%swap3A_295], %get3A_292 {strides = array<i32>} : memref<7168xf32, #tpu.memory_space<vmem>>, vector<16xf32>,
        %mul3A_297 = arith.constant 16 : i32
        %mul3A_298 = arith.muli %scan3A_71, %mul3A_297 : i32
        %add3A_299 = arith.constant 10 : i32
        %add3A_300 = arith.addi %mul3A_298, %add3A_299 : i32
        %slice3A_301 = vector.extract_strided_slice %get3A_77 {offsets = [10], sizes = [1], strides = [1]} : vector<16xi32> to vector<1xi32>
        %squeeze3A_302 = vector.extract %slice3A_301[0] : i32 from vector<1xi32>
        %slice3A_303 = vector.extract_strided_slice %get3A_79 {offsets = [10], sizes = [1], strides = [1]} : vector<16xi32> to vector<1xi32>
        %squeeze3A_304 = vector.extract %slice3A_303[0] : i32 from vector<1xi32>
        %get3A_305 = arith.index_cast %add3A_300 : i32 to index
        %get3A_306 = arith.index_cast %squeeze3A_302 : i32 to index
        %get3A_307 = tpu.vector_load %arg10[%get3A_305, %get3A_306] {strides = array<i32>} : memref<208x128xf32, #tpu.memory_space<vmem>>, vector<16xf32>,
        %swap3A_308 = arith.index_cast %squeeze3A_304 : i32 to index
        %swap3A_309 = tpu.vector_load %arg12[%swap3A_308] {strides = array<i32>} : memref<7168xf32, #tpu.memory_space<vmem>>, vector<16xf32>,
        tpu.vector_store %arg12[%swap3A_308], %get3A_307 {strides = array<i32>} : memref<7168xf32, #tpu.memory_space<vmem>>, vector<16xf32>,
        %add3A_310 = arith.constant 16 : i32
        %add3A_311 = arith.addi %squeeze3A_302, %add3A_310 : i32
        %get3A_312 = arith.index_cast %add3A_300 : i32 to index
        %get3A_313 = arith.index_cast %add3A_311 : i32 to index
        %get3A_314 = tpu.vector_load %arg10[%get3A_312, %get3A_313] {strides = array<i32>} : memref<208x128xf32, #tpu.memory_space<vmem>>, vector<16xf32>,
        %add3A_315 = arith.constant 16 : i32
        %add3A_316 = arith.addi %squeeze3A_304, %add3A_315 : i32
        %swap3A_317 = arith.index_cast %add3A_316 : i32 to index
        %swap3A_318 = tpu.vector_load %arg12[%swap3A_317] {strides = array<i32>} : memref<7168xf32, #tpu.memory_space<vmem>>, vector<16xf32>,
        tpu.vector_store %arg12[%swap3A_317], %get3A_314 {strides = array<i32>} : memref<7168xf32, #tpu.memory_space<vmem>>, vector<16xf32>,
        %mul3A_319 = arith.constant 16 : i32
        %mul3A_320 = arith.muli %scan3A_71, %mul3A_319 : i32
        %add3A_321 = arith.constant 11 : i32
        %add3A_322 = arith.addi %mul3A_320, %add3A_321 : i32
        %slice3A_323 = vector.extract_strided_slice %get3A_77 {offsets = [11], sizes = [1], strides = [1]} : vector<16xi32> to vector<1xi32>
        %squeeze3A_324 = vector.extract %slice3A_323[0] : i32 from vector<1xi32>
        %slice3A_325 = vector.extract_strided_slice %get3A_79 {offsets = [11], sizes = [1], strides = [1]} : vector<16xi32> to vector<1xi32>
        %squeeze3A_326 = vector.extract %slice3A_325[0] : i32 from vector<1xi32>
        %get3A_327 = arith.index_cast %add3A_322 : i32 to index
        %get3A_328 = arith.index_cast %squeeze3A_324 : i32 to index
        %get3A_329 = tpu.vector_load %arg10[%get3A_327, %get3A_328] {strides = array<i32>} : memref<208x128xf32, #tpu.memory_space<vmem>>, vector<16xf32>,
        %swap3A_330 = arith.index_cast %squeeze3A_326 : i32 to index
        %swap3A_331 = tpu.vector_load %arg12[%swap3A_330] {strides = array<i32>} : memref<7168xf32, #tpu.memory_space<vmem>>, vector<16xf32>,
        tpu.vector_store %arg12[%swap3A_330], %get3A_329 {strides = array<i32>} : memref<7168xf32, #tpu.memory_space<vmem>>, vector<16xf32>,
        %add3A_332 = arith.constant 16 : i32
        %add3A_333 = arith.addi %squeeze3A_324, %add3A_332 : i32
        %get3A_334 = arith.index_cast %add3A_322 : i32 to index
        %get3A_335 = arith.index_cast %add3A_333 : i32 to index
        %get3A_336 = tpu.vector_load %arg10[%get3A_334, %get3A_335] {strides = array<i32>} : memref<208x128xf32, #tpu.memory_space<vmem>>, vector<16xf32>,
        %add3A_337 = arith.constant 16 : i32
        %add3A_338 = arith.addi %squeeze3A_326, %add3A_337 : i32
        %swap3A_339 = arith.index_cast %add3A_338 : i32 to index
        %swap3A_340 = tpu.vector_load %arg12[%swap3A_339] {strides = array<i32>} : memref<7168xf32, #tpu.memory_space<vmem>>, vector<16xf32>,
        tpu.vector_store %arg12[%swap3A_339], %get3A_336 {strides = array<i32>} : memref<7168xf32, #tpu.memory_space<vmem>>, vector<16xf32>,
        %mul3A_341 = arith.constant 16 : i32
        %mul3A_342 = arith.muli %scan3A_71, %mul3A_341 : i32
        %add3A_343 = arith.constant 12 : i32
        %add3A_344 = arith.addi %mul3A_342, %add3A_343 : i32
        %slice3A_345 = vector.extract_strided_slice %get3A_77 {offsets = [12], sizes = [1], strides = [1]} : vector<16xi32> to vector<1xi32>
        %squeeze3A_346 = vector.extract %slice3A_345[0] : i32 from vector<1xi32>
        %slice3A_347 = vector.extract_strided_slice %get3A_79 {offsets = [12], sizes = [1], strides = [1]} : vector<16xi32> to vector<1xi32>
        %squeeze3A_348 = vector.extract %slice3A_347[0] : i32 from vector<1xi32>
        %get3A_349 = arith.index_cast %add3A_344 : i32 to index
        %get3A_350 = arith.index_cast %squeeze3A_346 : i32 to index
        %get3A_351 = tpu.vector_load %arg10[%get3A_349, %get3A_350] {strides = array<i32>} : memref<208x128xf32, #tpu.memory_space<vmem>>, vector<16xf32>,
        %swap3A_352 = arith.index_cast %squeeze3A_348 : i32 to index
        %swap3A_353 = tpu.vector_load %arg12[%swap3A_352] {strides = array<i32>} : memref<7168xf32, #tpu.memory_space<vmem>>, vector<16xf32>,
        tpu.vector_store %arg12[%swap3A_352], %get3A_351 {strides = array<i32>} : memref<7168xf32, #tpu.memory_space<vmem>>, vector<16xf32>,
        %add3A_354 = arith.constant 16 : i32
        %add3A_355 = arith.addi %squeeze3A_346, %add3A_354 : i32
        %get3A_356 = arith.index_cast %add3A_344 : i32 to index
        %get3A_357 = arith.index_cast %add3A_355 : i32 to index
        %get3A_358 = tpu.vector_load %arg10[%get3A_356, %get3A_357] {strides = array<i32>} : memref<208x128xf32, #tpu.memory_space<vmem>>, vector<16xf32>,
        %add3A_359 = arith.constant 16 : i32
        %add3A_360 = arith.addi %squeeze3A_348, %add3A_359 : i32
        %swap3A_361 = arith.index_cast %add3A_360 : i32 to index
        %swap3A_362 = tpu.vector_load %arg12[%swap3A_361] {strides = array<i32>} : memref<7168xf32, #tpu.memory_space<vmem>>, vector<16xf32>,
        tpu.vector_store %arg12[%swap3A_361], %get3A_358 {strides = array<i32>} : memref<7168xf32, #tpu.memory_space<vmem>>, vector<16xf32>,
        %mul3A_363 = arith.constant 16 : i32
        %mul3A_364 = arith.muli %scan3A_71, %mul3A_363 : i32
        %add3A_365 = arith.constant 13 : i32
        %add3A_366 = arith.addi %mul3A_364, %add3A_365 : i32
        %slice3A_367 = vector.extract_strided_slice %get3A_77 {offsets = [13], sizes = [1], strides = [1]} : vector<16xi32> to vector<1xi32>
        %squeeze3A_368 = vector.extract %slice3A_367[0] : i32 from vector<1xi32>
        %slice3A_369 = vector.extract_strided_slice %get3A_79 {offsets = [13], sizes = [1], strides = [1]} : vector<16xi32> to vector<1xi32>
        %squeeze3A_370 = vector.extract %slice3A_369[0] : i32 from vector<1xi32>
        %get3A_371 = arith.index_cast %add3A_366 : i32 to index
        %get3A_372 = arith.index_cast %squeeze3A_368 : i32 to index
        %get3A_373 = tpu.vector_load %arg10[%get3A_371, %get3A_372] {strides = array<i32>} : memref<208x128xf32, #tpu.memory_space<vmem>>, vector<16xf32>,
        %swap3A_374 = arith.index_cast %squeeze3A_370 : i32 to index
        %swap3A_375 = tpu.vector_load %arg12[%swap3A_374] {strides = array<i32>} : memref<7168xf32, #tpu.memory_space<vmem>>, vector<16xf32>,
        tpu.vector_store %arg12[%swap3A_374], %get3A_373 {strides = array<i32>} : memref<7168xf32, #tpu.memory_space<vmem>>, vector<16xf32>,
        %add3A_376 = arith.constant 16 : i32
        %add3A_377 = arith.addi %squeeze3A_368, %add3A_376 : i32
        %get3A_378 = arith.index_cast %add3A_366 : i32 to index
        %get3A_379 = arith.index_cast %add3A_377 : i32 to index
        %get3A_380 = tpu.vector_load %arg10[%get3A_378, %get3A_379] {strides = array<i32>} : memref<208x128xf32, #tpu.memory_space<vmem>>, vector<16xf32>,
        %add3A_381 = arith.constant 16 : i32
        %add3A_382 = arith.addi %squeeze3A_370, %add3A_381 : i32
        %swap3A_383 = arith.index_cast %add3A_382 : i32 to index
        %swap3A_384 = tpu.vector_load %arg12[%swap3A_383] {strides = array<i32>} : memref<7168xf32, #tpu.memory_space<vmem>>, vector<16xf32>,
        tpu.vector_store %arg12[%swap3A_383], %get3A_380 {strides = array<i32>} : memref<7168xf32, #tpu.memory_space<vmem>>, vector<16xf32>,
        %mul3A_385 = arith.constant 16 : i32
        %mul3A_386 = arith.muli %scan3A_71, %mul3A_385 : i32
        %add3A_387 = arith.constant 14 : i32
        %add3A_388 = arith.addi %mul3A_386, %add3A_387 : i32
        %slice3A_389 = vector.extract_strided_slice %get3A_77 {offsets = [14], sizes = [1], strides = [1]} : vector<16xi32> to vector<1xi32>
        %squeeze3A_390 = vector.extract %slice3A_389[0] : i32 from vector<1xi32>
        %slice3A_391 = vector.extract_strided_slice %get3A_79 {offsets = [14], sizes = [1], strides = [1]} : vector<16xi32> to vector<1xi32>
        %squeeze3A_392 = vector.extract %slice3A_391[0] : i32 from vector<1xi32>
        %get3A_393 = arith.index_cast %add3A_388 : i32 to index
        %get3A_394 = arith.index_cast %squeeze3A_390 : i32 to index
        %get3A_395 = tpu.vector_load %arg10[%get3A_393, %get3A_394] {strides = array<i32>} : memref<208x128xf32, #tpu.memory_space<vmem>>, vector<16xf32>,
        %swap3A_396 = arith.index_cast %squeeze3A_392 : i32 to index
        %swap3A_397 = tpu.vector_load %arg12[%swap3A_396] {strides = array<i32>} : memref<7168xf32, #tpu.memory_space<vmem>>, vector<16xf32>,
        tpu.vector_store %arg12[%swap3A_396], %get3A_395 {strides = array<i32>} : memref<7168xf32, #tpu.memory_space<vmem>>, vector<16xf32>,
        %add3A_398 = arith.constant 16 : i32
        %add3A_399 = arith.addi %squeeze3A_390, %add3A_398 : i32
        %get3A_400 = arith.index_cast %add3A_388 : i32 to index
        %get3A_401 = arith.index_cast %add3A_399 : i32 to index
        %get3A_402 = tpu.vector_load %arg10[%get3A_400, %get3A_401] {strides = array<i32>} : memref<208x128xf32, #tpu.memory_space<vmem>>, vector<16xf32>,
        %add3A_403 = arith.constant 16 : i32
        %add3A_404 = arith.addi %squeeze3A_392, %add3A_403 : i32
        %swap3A_405 = arith.index_cast %add3A_404 : i32 to index
        %swap3A_406 = tpu.vector_load %arg12[%swap3A_405] {strides = array<i32>} : memref<7168xf32, #tpu.memory_space<vmem>>, vector<16xf32>,
        tpu.vector_store %arg12[%swap3A_405], %get3A_402 {strides = array<i32>} : memref<7168xf32, #tpu.memory_space<vmem>>, vector<16xf32>,
        %mul3A_407 = arith.constant 16 : i32
        %mul3A_408 = arith.muli %scan3A_71, %mul3A_407 : i32
        %add3A_409 = arith.constant 15 : i32
        %add3A_410 = arith.addi %mul3A_408, %add3A_409 : i32
        %slice3A_411 = vector.extract_strided_slice %get3A_77 {offsets = [15], sizes = [1], strides = [1]} : vector<16xi32> to vector<1xi32>
        %squeeze3A_412 = vector.extract %slice3A_411[0] : i32 from vector<1xi32>
        %slice3A_413 = vector.extract_strided_slice %get3A_79 {offsets = [15], sizes = [1], strides = [1]} : vector<16xi32> to vector<1xi32>
        %squeeze3A_414 = vector.extract %slice3A_413[0] : i32 from vector<1xi32>
        %get3A_415 = arith.index_cast %add3A_410 : i32 to index
        %get3A_416 = arith.index_cast %squeeze3A_412 : i32 to index
        %get3A_417 = tpu.vector_load %arg10[%get3A_415, %get3A_416] {strides = array<i32>} : memref<208x128xf32, #tpu.memory_space<vmem>>, vector<16xf32>,
        %swap3A_418 = arith.index_cast %squeeze3A_414 : i32 to index
        %swap3A_419 = tpu.vector_load %arg12[%swap3A_418] {strides = array<i32>} : memref<7168xf32, #tpu.memory_space<vmem>>, vector<16xf32>,
        tpu.vector_store %arg12[%swap3A_418], %get3A_417 {strides = array<i32>} : memref<7168xf32, #tpu.memory_space<vmem>>, vector<16xf32>,
        %add3A_420 = arith.constant 16 : i32
        %add3A_421 = arith.addi %squeeze3A_412, %add3A_420 : i32
        %get3A_422 = arith.index_cast %add3A_410 : i32 to index
        %get3A_423 = arith.index_cast %add3A_421 : i32 to index
        %get3A_424 = tpu.vector_load %arg10[%get3A_422, %get3A_423] {strides = array<i32>} : memref<208x128xf32, #tpu.memory_space<vmem>>, vector<16xf32>,
        %add3A_425 = arith.constant 16 : i32
        %add3A_426 = arith.addi %squeeze3A_414, %add3A_425 : i32
        %swap3A_427 = arith.index_cast %add3A_426 : i32 to index
        %swap3A_428 = tpu.vector_load %arg12[%swap3A_427] {strides = array<i32>} : memref<7168xf32, #tpu.memory_space<vmem>>, vector<16xf32>,
        tpu.vector_store %arg12[%swap3A_427], %get3A_424 {strides = array<i32>} : memref<7168xf32, #tpu.memory_space<vmem>>, vector<16xf32>,
      }
      %scan3A_42 = arith.constant 13 : i32
      %mul3A_43 = arith.constant 8 : i32
      %mul3A_44 = arith.muli %mul3A_23, %mul3A_43 : i32
      %add3A_45 = arith.addi %mul3A_4, %mul3A_44 : i32
      %mul3A_46 = arith.constant 896 : i32
      %mul3A_47 = arith.muli %add3A_45, %mul3A_46 : i32
      "tpu.region"() ({
        %run_scoped3A = tpu.sem_alloc : memref<!tpu.dma_semaphore, #tpu.memory_space<semaphore_mem>>
        %dma_start3A_71 = tpu.memref_slice %arg6[%mul3A_47] : memref<14680064xf32, #tpu.memory_space<hbm>> -> memref<7168xf32, #tpu.memory_space<hbm>>
        %dma_start3A_72 = tpu.memref_slice %arg6[%mul3A_47] : memref<14680064xf32, #tpu.memory_space<hbm>> -> memref<7168xf32, #tpu.memory_space<hbm>>
        tpu.enqueue_dma source(%arg12 : memref<7168xf32, #tpu.memory_space<vmem>>) target(%dma_start3A_72 : memref<7168xf32, #tpu.memory_space<hbm>>) target_semaphore(%run_scoped3A : memref<!tpu.dma_semaphore, #tpu.memory_space<semaphore_mem>>)
        %dma_wait3A_73 = tpu.memref_slice %arg6[%mul3A_47] : memref<14680064xf32, #tpu.memory_space<hbm>> -> memref<7168xf32, #tpu.memory_space<hbm>>
        %dma_wait3A_74 = tpu.memref_slice %arg6[%mul3A_47] : memref<14680064xf32, #tpu.memory_space<hbm>> -> memref<7168xf32, #tpu.memory_space<hbm>>
        tpu.wait_dma2 semaphore(%run_scoped3A : memref<!tpu.dma_semaphore, #tpu.memory_space<semaphore_mem>>) src(%arg12 : memref<7168xf32, #tpu.memory_space<vmem>>) dst(%dma_wait3A_74 : memref<7168xf32, #tpu.memory_space<hbm>>)
        tpu.yield
      }) : () -> ()
      %lt3A = arith.constant 31 : i32
      %lt3A_48 = arith.cmpi slt, %scan3A_21, %lt3A : i32
      %convert_element_type3A = arith.extui %lt3A_48 : i1 to i32
      %cond3A = arith.constant 0 : i32
      %cond3A_49 = arith.cmpi ne, %convert_element_type3A, %cond3A : i32
      scf.if %cond3A_49 {
        %add3A_71 = arith.constant 2 : i32
        %add3A_72 = arith.addi %mul3A_23, %add3A_71 : i32
        %mul3A_73 = arith.constant 208 : i32
        %mul3A_74 = arith.muli %add3A_72, %mul3A_73 : i32
        %dma_start3A_75 = tpu.memref_slice %arg7[%mul3A_74] : memref<13312xi32, #tpu.memory_space<vmem>> -> memref<208xi32, #tpu.memory_space<vmem>>
        %dma_start3A_76 = arith.constant 0 : i32
        %dma_start3A_77 = arith.constant 0 : i32
        %dma_start3A_78 = tpu.memref_slice %arg2[%dma_start3A_76, %dma_start3A_77] : memref<665600x128xf32, #tpu.memory_space<hbm>> -> memref<665600x128xf32, #tpu.memory_space<hbm>>
        tpu.enqueue_indirect_dma source(%dma_start3A_78 : memref<665600x128xf32, #tpu.memory_space<hbm>>) target(%arg10 : memref<208x128xf32, #tpu.memory_space<vmem>>) offsets(%dma_start3A_75 : memref<208xi32, #tpu.memory_space<vmem>>) semaphore(%arg13 : memref<!tpu.dma_semaphore, #tpu.memory_space<semaphore_mem>>)
      } else {
      }
      %add3A_50 = arith.constant 1 : i32
      %add3A_51 = arith.addi %mul3A_23, %add3A_50 : i32
      %mul3A_52 = arith.constant 208 : i32
      %mul3A_53 = arith.muli %add3A_51, %mul3A_52 : i32
      %dma_wait3A_54 = tpu.memref_slice %arg7[%mul3A_53] : memref<13312xi32, #tpu.memory_space<vmem>> -> memref<208xi32, #tpu.memory_space<vmem>>
      %dma_wait3A_55 = arith.constant 0 : i32
      %dma_wait3A_56 = arith.constant 0 : i32
      %dma_wait3A_57 = tpu.memref_slice %arg2[%dma_wait3A_55, %dma_wait3A_56] : memref<665600x128xf32, #tpu.memory_space<hbm>> -> memref<665600x128xf32, #tpu.memory_space<hbm>>
      tpu.wait_indirect_dma semaphore(%arg14 : memref<!tpu.dma_semaphore, #tpu.memory_space<semaphore_mem>>) src(%dma_wait3A_57 : memref<665600x128xf32, #tpu.memory_space<hbm>>) dst(%arg11 : memref<208x128xf32, #tpu.memory_space<vmem>>)
      %add3A_58 = arith.constant 1 : i32
      %add3A_59 = arith.addi %mul3A_23, %add3A_58 : i32
      %scan3A_60 = arith.constant 0 : i32
      %scan3A_61 = arith.constant 0 : i32
      %scan3A_62 = arith.constant 13 : i32
      %scan3A_63 = arith.addi %scan3A_61, %scan3A_62 : i32
      %scan3A_64 = arith.constant 1 : i32
      scf.for %scan3A_71 = %scan3A_61 to %scan3A_63 step %scan3A_64  : i32 {
        %mul3A_72 = arith.constant 208 : i32
        %mul3A_73 = arith.muli %add3A_59, %mul3A_72 : i32
        %mul3A_74 = arith.constant 16 : i32
        %mul3A_75 = arith.muli %scan3A_71, %mul3A_74 : i32
        %add3A_76 = arith.addi %mul3A_73, %mul3A_75 : i32
        %get3A = arith.index_cast %add3A_76 : i32 to index
        %get3A_77 = tpu.vector_load %arg8[%get3A] {strides = array<i32>} : memref<13312xi32, #tpu.memory_space<vmem>>, vector<16xi32>,
        %get3A_78 = arith.index_cast %add3A_76 : i32 to index
        %get3A_79 = tpu.vector_load %arg9[%get3A_78] {strides = array<i32>} : memref<13312xi32, #tpu.memory_space<vmem>>, vector<16xi32>,
        %mul3A_80 = arith.constant 16 : i32
        %mul3A_81 = arith.muli %scan3A_71, %mul3A_80 : i32
        %add3A_82 = arith.constant 0 : i32
        %add3A_83 = arith.addi %mul3A_81, %add3A_82 : i32
        %slice3A = vector.extract_strided_slice %get3A_77 {offsets = [0], sizes = [1], strides = [1]} : vector<16xi32> to vector<1xi32>
        %squeeze3A = vector.extract %slice3A[0] : i32 from vector<1xi32>
        %slice3A_84 = vector.extract_strided_slice %get3A_79 {offsets = [0], sizes = [1], strides = [1]} : vector<16xi32> to vector<1xi32>
        %squeeze3A_85 = vector.extract %slice3A_84[0] : i32 from vector<1xi32>
        %get3A_86 = arith.index_cast %add3A_83 : i32 to index
        %get3A_87 = arith.index_cast %squeeze3A : i32 to index
        %get3A_88 = tpu.vector_load %arg11[%get3A_86, %get3A_87] {strides = array<i32>} : memref<208x128xf32, #tpu.memory_space<vmem>>, vector<16xf32>,
        %swap3A = arith.index_cast %squeeze3A_85 : i32 to index
        %swap3A_89 = tpu.vector_load %arg12[%swap3A] {strides = array<i32>} : memref<7168xf32, #tpu.memory_space<vmem>>, vector<16xf32>,
        tpu.vector_store %arg12[%swap3A], %get3A_88 {strides = array<i32>} : memref<7168xf32, #tpu.memory_space<vmem>>, vector<16xf32>,
        %add3A_90 = arith.constant 16 : i32
        %add3A_91 = arith.addi %squeeze3A, %add3A_90 : i32
        %get3A_92 = arith.index_cast %add3A_83 : i32 to index
        %get3A_93 = arith.index_cast %add3A_91 : i32 to index
        %get3A_94 = tpu.vector_load %arg11[%get3A_92, %get3A_93] {strides = array<i32>} : memref<208x128xf32, #tpu.memory_space<vmem>>, vector<16xf32>,
        %add3A_95 = arith.constant 16 : i32
        %add3A_96 = arith.addi %squeeze3A_85, %add3A_95 : i32
        %swap3A_97 = arith.index_cast %add3A_96 : i32 to index
        %swap3A_98 = tpu.vector_load %arg12[%swap3A_97] {strides = array<i32>} : memref<7168xf32, #tpu.memory_space<vmem>>, vector<16xf32>,
        tpu.vector_store %arg12[%swap3A_97], %get3A_94 {strides = array<i32>} : memref<7168xf32, #tpu.memory_space<vmem>>, vector<16xf32>,
        %mul3A_99 = arith.constant 16 : i32
        %mul3A_100 = arith.muli %scan3A_71, %mul3A_99 : i32
        %add3A_101 = arith.constant 1 : i32
        %add3A_102 = arith.addi %mul3A_100, %add3A_101 : i32
        %slice3A_103 = vector.extract_strided_slice %get3A_77 {offsets = [1], sizes = [1], strides = [1]} : vector<16xi32> to vector<1xi32>
        %squeeze3A_104 = vector.extract %slice3A_103[0] : i32 from vector<1xi32>
        %slice3A_105 = vector.extract_strided_slice %get3A_79 {offsets = [1], sizes = [1], strides = [1]} : vector<16xi32> to vector<1xi32>
        %squeeze3A_106 = vector.extract %slice3A_105[0] : i32 from vector<1xi32>
        %get3A_107 = arith.index_cast %add3A_102 : i32 to index
        %get3A_108 = arith.index_cast %squeeze3A_104 : i32 to index
        %get3A_109 = tpu.vector_load %arg11[%get3A_107, %get3A_108] {strides = array<i32>} : memref<208x128xf32, #tpu.memory_space<vmem>>, vector<16xf32>,
        %swap3A_110 = arith.index_cast %squeeze3A_106 : i32 to index
        %swap3A_111 = tpu.vector_load %arg12[%swap3A_110] {strides = array<i32>} : memref<7168xf32, #tpu.memory_space<vmem>>, vector<16xf32>,
        tpu.vector_store %arg12[%swap3A_110], %get3A_109 {strides = array<i32>} : memref<7168xf32, #tpu.memory_space<vmem>>, vector<16xf32>,
        %add3A_112 = arith.constant 16 : i32
        %add3A_113 = arith.addi %squeeze3A_104, %add3A_112 : i32
        %get3A_114 = arith.index_cast %add3A_102 : i32 to index
        %get3A_115 = arith.index_cast %add3A_113 : i32 to index
        %get3A_116 = tpu.vector_load %arg11[%get3A_114, %get3A_115] {strides = array<i32>} : memref<208x128xf32, #tpu.memory_space<vmem>>, vector<16xf32>,
        %add3A_117 = arith.constant 16 : i32
        %add3A_118 = arith.addi %squeeze3A_106, %add3A_117 : i32
        %swap3A_119 = arith.index_cast %add3A_118 : i32 to index
        %swap3A_120 = tpu.vector_load %arg12[%swap3A_119] {strides = array<i32>} : memref<7168xf32, #tpu.memory_space<vmem>>, vector<16xf32>,
        tpu.vector_store %arg12[%swap3A_119], %get3A_116 {strides = array<i32>} : memref<7168xf32, #tpu.memory_space<vmem>>, vector<16xf32>,
        %mul3A_121 = arith.constant 16 : i32
        %mul3A_122 = arith.muli %scan3A_71, %mul3A_121 : i32
        %add3A_123 = arith.constant 2 : i32
        %add3A_124 = arith.addi %mul3A_122, %add3A_123 : i32
        %slice3A_125 = vector.extract_strided_slice %get3A_77 {offsets = [2], sizes = [1], strides = [1]} : vector<16xi32> to vector<1xi32>
        %squeeze3A_126 = vector.extract %slice3A_125[0] : i32 from vector<1xi32>
        %slice3A_127 = vector.extract_strided_slice %get3A_79 {offsets = [2], sizes = [1], strides = [1]} : vector<16xi32> to vector<1xi32>
        %squeeze3A_128 = vector.extract %slice3A_127[0] : i32 from vector<1xi32>
        %get3A_129 = arith.index_cast %add3A_124 : i32 to index
        %get3A_130 = arith.index_cast %squeeze3A_126 : i32 to index
        %get3A_131 = tpu.vector_load %arg11[%get3A_129, %get3A_130] {strides = array<i32>} : memref<208x128xf32, #tpu.memory_space<vmem>>, vector<16xf32>,
        %swap3A_132 = arith.index_cast %squeeze3A_128 : i32 to index
        %swap3A_133 = tpu.vector_load %arg12[%swap3A_132] {strides = array<i32>} : memref<7168xf32, #tpu.memory_space<vmem>>, vector<16xf32>,
        tpu.vector_store %arg12[%swap3A_132], %get3A_131 {strides = array<i32>} : memref<7168xf32, #tpu.memory_space<vmem>>, vector<16xf32>,
        %add3A_134 = arith.constant 16 : i32
        %add3A_135 = arith.addi %squeeze3A_126, %add3A_134 : i32
        %get3A_136 = arith.index_cast %add3A_124 : i32 to index
        %get3A_137 = arith.index_cast %add3A_135 : i32 to index
        %get3A_138 = tpu.vector_load %arg11[%get3A_136, %get3A_137] {strides = array<i32>} : memref<208x128xf32, #tpu.memory_space<vmem>>, vector<16xf32>,
        %add3A_139 = arith.constant 16 : i32
        %add3A_140 = arith.addi %squeeze3A_128, %add3A_139 : i32
        %swap3A_141 = arith.index_cast %add3A_140 : i32 to index
        %swap3A_142 = tpu.vector_load %arg12[%swap3A_141] {strides = array<i32>} : memref<7168xf32, #tpu.memory_space<vmem>>, vector<16xf32>,
        tpu.vector_store %arg12[%swap3A_141], %get3A_138 {strides = array<i32>} : memref<7168xf32, #tpu.memory_space<vmem>>, vector<16xf32>,
        %mul3A_143 = arith.constant 16 : i32
        %mul3A_144 = arith.muli %scan3A_71, %mul3A_143 : i32
        %add3A_145 = arith.constant 3 : i32
        %add3A_146 = arith.addi %mul3A_144, %add3A_145 : i32
        %slice3A_147 = vector.extract_strided_slice %get3A_77 {offsets = [3], sizes = [1], strides = [1]} : vector<16xi32> to vector<1xi32>
        %squeeze3A_148 = vector.extract %slice3A_147[0] : i32 from vector<1xi32>
        %slice3A_149 = vector.extract_strided_slice %get3A_79 {offsets = [3], sizes = [1], strides = [1]} : vector<16xi32> to vector<1xi32>
        %squeeze3A_150 = vector.extract %slice3A_149[0] : i32 from vector<1xi32>
        %get3A_151 = arith.index_cast %add3A_146 : i32 to index
        %get3A_152 = arith.index_cast %squeeze3A_148 : i32 to index
        %get3A_153 = tpu.vector_load %arg11[%get3A_151, %get3A_152] {strides = array<i32>} : memref<208x128xf32, #tpu.memory_space<vmem>>, vector<16xf32>,
        %swap3A_154 = arith.index_cast %squeeze3A_150 : i32 to index
        %swap3A_155 = tpu.vector_load %arg12[%swap3A_154] {strides = array<i32>} : memref<7168xf32, #tpu.memory_space<vmem>>, vector<16xf32>,
        tpu.vector_store %arg12[%swap3A_154], %get3A_153 {strides = array<i32>} : memref<7168xf32, #tpu.memory_space<vmem>>, vector<16xf32>,
        %add3A_156 = arith.constant 16 : i32
        %add3A_157 = arith.addi %squeeze3A_148, %add3A_156 : i32
        %get3A_158 = arith.index_cast %add3A_146 : i32 to index
        %get3A_159 = arith.index_cast %add3A_157 : i32 to index
        %get3A_160 = tpu.vector_load %arg11[%get3A_158, %get3A_159] {strides = array<i32>} : memref<208x128xf32, #tpu.memory_space<vmem>>, vector<16xf32>,
        %add3A_161 = arith.constant 16 : i32
        %add3A_162 = arith.addi %squeeze3A_150, %add3A_161 : i32
        %swap3A_163 = arith.index_cast %add3A_162 : i32 to index
        %swap3A_164 = tpu.vector_load %arg12[%swap3A_163] {strides = array<i32>} : memref<7168xf32, #tpu.memory_space<vmem>>, vector<16xf32>,
        tpu.vector_store %arg12[%swap3A_163], %get3A_160 {strides = array<i32>} : memref<7168xf32, #tpu.memory_space<vmem>>, vector<16xf32>,
        %mul3A_165 = arith.constant 16 : i32
        %mul3A_166 = arith.muli %scan3A_71, %mul3A_165 : i32
        %add3A_167 = arith.constant 4 : i32
        %add3A_168 = arith.addi %mul3A_166, %add3A_167 : i32
        %slice3A_169 = vector.extract_strided_slice %get3A_77 {offsets = [4], sizes = [1], strides = [1]} : vector<16xi32> to vector<1xi32>
        %squeeze3A_170 = vector.extract %slice3A_169[0] : i32 from vector<1xi32>
        %slice3A_171 = vector.extract_strided_slice %get3A_79 {offsets = [4], sizes = [1], strides = [1]} : vector<16xi32> to vector<1xi32>
        %squeeze3A_172 = vector.extract %slice3A_171[0] : i32 from vector<1xi32>
        %get3A_173 = arith.index_cast %add3A_168 : i32 to index
        %get3A_174 = arith.index_cast %squeeze3A_170 : i32 to index
        %get3A_175 = tpu.vector_load %arg11[%get3A_173, %get3A_174] {strides = array<i32>} : memref<208x128xf32, #tpu.memory_space<vmem>>, vector<16xf32>,
        %swap3A_176 = arith.index_cast %squeeze3A_172 : i32 to index
        %swap3A_177 = tpu.vector_load %arg12[%swap3A_176] {strides = array<i32>} : memref<7168xf32, #tpu.memory_space<vmem>>, vector<16xf32>,
        tpu.vector_store %arg12[%swap3A_176], %get3A_175 {strides = array<i32>} : memref<7168xf32, #tpu.memory_space<vmem>>, vector<16xf32>,
        %add3A_178 = arith.constant 16 : i32
        %add3A_179 = arith.addi %squeeze3A_170, %add3A_178 : i32
        %get3A_180 = arith.index_cast %add3A_168 : i32 to index
        %get3A_181 = arith.index_cast %add3A_179 : i32 to index
        %get3A_182 = tpu.vector_load %arg11[%get3A_180, %get3A_181] {strides = array<i32>} : memref<208x128xf32, #tpu.memory_space<vmem>>, vector<16xf32>,
        %add3A_183 = arith.constant 16 : i32
        %add3A_184 = arith.addi %squeeze3A_172, %add3A_183 : i32
        %swap3A_185 = arith.index_cast %add3A_184 : i32 to index
        %swap3A_186 = tpu.vector_load %arg12[%swap3A_185] {strides = array<i32>} : memref<7168xf32, #tpu.memory_space<vmem>>, vector<16xf32>,
        tpu.vector_store %arg12[%swap3A_185], %get3A_182 {strides = array<i32>} : memref<7168xf32, #tpu.memory_space<vmem>>, vector<16xf32>,
        %mul3A_187 = arith.constant 16 : i32
        %mul3A_188 = arith.muli %scan3A_71, %mul3A_187 : i32
        %add3A_189 = arith.constant 5 : i32
        %add3A_190 = arith.addi %mul3A_188, %add3A_189 : i32
        %slice3A_191 = vector.extract_strided_slice %get3A_77 {offsets = [5], sizes = [1], strides = [1]} : vector<16xi32> to vector<1xi32>
        %squeeze3A_192 = vector.extract %slice3A_191[0] : i32 from vector<1xi32>
        %slice3A_193 = vector.extract_strided_slice %get3A_79 {offsets = [5], sizes = [1], strides = [1]} : vector<16xi32> to vector<1xi32>
        %squeeze3A_194 = vector.extract %slice3A_193[0] : i32 from vector<1xi32>
        %get3A_195 = arith.index_cast %add3A_190 : i32 to index
        %get3A_196 = arith.index_cast %squeeze3A_192 : i32 to index
        %get3A_197 = tpu.vector_load %arg11[%get3A_195, %get3A_196] {strides = array<i32>} : memref<208x128xf32, #tpu.memory_space<vmem>>, vector<16xf32>,
        %swap3A_198 = arith.index_cast %squeeze3A_194 : i32 to index
        %swap3A_199 = tpu.vector_load %arg12[%swap3A_198] {strides = array<i32>} : memref<7168xf32, #tpu.memory_space<vmem>>, vector<16xf32>,
        tpu.vector_store %arg12[%swap3A_198], %get3A_197 {strides = array<i32>} : memref<7168xf32, #tpu.memory_space<vmem>>, vector<16xf32>,
        %add3A_200 = arith.constant 16 : i32
        %add3A_201 = arith.addi %squeeze3A_192, %add3A_200 : i32
        %get3A_202 = arith.index_cast %add3A_190 : i32 to index
        %get3A_203 = arith.index_cast %add3A_201 : i32 to index
        %get3A_204 = tpu.vector_load %arg11[%get3A_202, %get3A_203] {strides = array<i32>} : memref<208x128xf32, #tpu.memory_space<vmem>>, vector<16xf32>,
        %add3A_205 = arith.constant 16 : i32
        %add3A_206 = arith.addi %squeeze3A_194, %add3A_205 : i32
        %swap3A_207 = arith.index_cast %add3A_206 : i32 to index
        %swap3A_208 = tpu.vector_load %arg12[%swap3A_207] {strides = array<i32>} : memref<7168xf32, #tpu.memory_space<vmem>>, vector<16xf32>,
        tpu.vector_store %arg12[%swap3A_207], %get3A_204 {strides = array<i32>} : memref<7168xf32, #tpu.memory_space<vmem>>, vector<16xf32>,
        %mul3A_209 = arith.constant 16 : i32
        %mul3A_210 = arith.muli %scan3A_71, %mul3A_209 : i32
        %add3A_211 = arith.constant 6 : i32
        %add3A_212 = arith.addi %mul3A_210, %add3A_211 : i32
        %slice3A_213 = vector.extract_strided_slice %get3A_77 {offsets = [6], sizes = [1], strides = [1]} : vector<16xi32> to vector<1xi32>
        %squeeze3A_214 = vector.extract %slice3A_213[0] : i32 from vector<1xi32>
        %slice3A_215 = vector.extract_strided_slice %get3A_79 {offsets = [6], sizes = [1], strides = [1]} : vector<16xi32> to vector<1xi32>
        %squeeze3A_216 = vector.extract %slice3A_215[0] : i32 from vector<1xi32>
        %get3A_217 = arith.index_cast %add3A_212 : i32 to index
        %get3A_218 = arith.index_cast %squeeze3A_214 : i32 to index
        %get3A_219 = tpu.vector_load %arg11[%get3A_217, %get3A_218] {strides = array<i32>} : memref<208x128xf32, #tpu.memory_space<vmem>>, vector<16xf32>,
        %swap3A_220 = arith.index_cast %squeeze3A_216 : i32 to index
        %swap3A_221 = tpu.vector_load %arg12[%swap3A_220] {strides = array<i32>} : memref<7168xf32, #tpu.memory_space<vmem>>, vector<16xf32>,
        tpu.vector_store %arg12[%swap3A_220], %get3A_219 {strides = array<i32>} : memref<7168xf32, #tpu.memory_space<vmem>>, vector<16xf32>,
        %add3A_222 = arith.constant 16 : i32
        %add3A_223 = arith.addi %squeeze3A_214, %add3A_222 : i32
        %get3A_224 = arith.index_cast %add3A_212 : i32 to index
        %get3A_225 = arith.index_cast %add3A_223 : i32 to index
        %get3A_226 = tpu.vector_load %arg11[%get3A_224, %get3A_225] {strides = array<i32>} : memref<208x128xf32, #tpu.memory_space<vmem>>, vector<16xf32>,
        %add3A_227 = arith.constant 16 : i32
        %add3A_228 = arith.addi %squeeze3A_216, %add3A_227 : i32
        %swap3A_229 = arith.index_cast %add3A_228 : i32 to index
        %swap3A_230 = tpu.vector_load %arg12[%swap3A_229] {strides = array<i32>} : memref<7168xf32, #tpu.memory_space<vmem>>, vector<16xf32>,
        tpu.vector_store %arg12[%swap3A_229], %get3A_226 {strides = array<i32>} : memref<7168xf32, #tpu.memory_space<vmem>>, vector<16xf32>,
        %mul3A_231 = arith.constant 16 : i32
        %mul3A_232 = arith.muli %scan3A_71, %mul3A_231 : i32
        %add3A_233 = arith.constant 7 : i32
        %add3A_234 = arith.addi %mul3A_232, %add3A_233 : i32
        %slice3A_235 = vector.extract_strided_slice %get3A_77 {offsets = [7], sizes = [1], strides = [1]} : vector<16xi32> to vector<1xi32>
        %squeeze3A_236 = vector.extract %slice3A_235[0] : i32 from vector<1xi32>
        %slice3A_237 = vector.extract_strided_slice %get3A_79 {offsets = [7], sizes = [1], strides = [1]} : vector<16xi32> to vector<1xi32>
        %squeeze3A_238 = vector.extract %slice3A_237[0] : i32 from vector<1xi32>
        %get3A_239 = arith.index_cast %add3A_234 : i32 to index
        %get3A_240 = arith.index_cast %squeeze3A_236 : i32 to index
        %get3A_241 = tpu.vector_load %arg11[%get3A_239, %get3A_240] {strides = array<i32>} : memref<208x128xf32, #tpu.memory_space<vmem>>, vector<16xf32>,
        %swap3A_242 = arith.index_cast %squeeze3A_238 : i32 to index
        %swap3A_243 = tpu.vector_load %arg12[%swap3A_242] {strides = array<i32>} : memref<7168xf32, #tpu.memory_space<vmem>>, vector<16xf32>,
        tpu.vector_store %arg12[%swap3A_242], %get3A_241 {strides = array<i32>} : memref<7168xf32, #tpu.memory_space<vmem>>, vector<16xf32>,
        %add3A_244 = arith.constant 16 : i32
        %add3A_245 = arith.addi %squeeze3A_236, %add3A_244 : i32
        %get3A_246 = arith.index_cast %add3A_234 : i32 to index
        %get3A_247 = arith.index_cast %add3A_245 : i32 to index
        %get3A_248 = tpu.vector_load %arg11[%get3A_246, %get3A_247] {strides = array<i32>} : memref<208x128xf32, #tpu.memory_space<vmem>>, vector<16xf32>,
        %add3A_249 = arith.constant 16 : i32
        %add3A_250 = arith.addi %squeeze3A_238, %add3A_249 : i32
        %swap3A_251 = arith.index_cast %add3A_250 : i32 to index
        %swap3A_252 = tpu.vector_load %arg12[%swap3A_251] {strides = array<i32>} : memref<7168xf32, #tpu.memory_space<vmem>>, vector<16xf32>,
        tpu.vector_store %arg12[%swap3A_251], %get3A_248 {strides = array<i32>} : memref<7168xf32, #tpu.memory_space<vmem>>, vector<16xf32>,
        %mul3A_253 = arith.constant 16 : i32
        %mul3A_254 = arith.muli %scan3A_71, %mul3A_253 : i32
        %add3A_255 = arith.constant 8 : i32
        %add3A_256 = arith.addi %mul3A_254, %add3A_255 : i32
        %slice3A_257 = vector.extract_strided_slice %get3A_77 {offsets = [8], sizes = [1], strides = [1]} : vector<16xi32> to vector<1xi32>
        %squeeze3A_258 = vector.extract %slice3A_257[0] : i32 from vector<1xi32>
        %slice3A_259 = vector.extract_strided_slice %get3A_79 {offsets = [8], sizes = [1], strides = [1]} : vector<16xi32> to vector<1xi32>
        %squeeze3A_260 = vector.extract %slice3A_259[0] : i32 from vector<1xi32>
        %get3A_261 = arith.index_cast %add3A_256 : i32 to index
        %get3A_262 = arith.index_cast %squeeze3A_258 : i32 to index
        %get3A_263 = tpu.vector_load %arg11[%get3A_261, %get3A_262] {strides = array<i32>} : memref<208x128xf32, #tpu.memory_space<vmem>>, vector<16xf32>,
        %swap3A_264 = arith.index_cast %squeeze3A_260 : i32 to index
        %swap3A_265 = tpu.vector_load %arg12[%swap3A_264] {strides = array<i32>} : memref<7168xf32, #tpu.memory_space<vmem>>, vector<16xf32>,
        tpu.vector_store %arg12[%swap3A_264], %get3A_263 {strides = array<i32>} : memref<7168xf32, #tpu.memory_space<vmem>>, vector<16xf32>,
        %add3A_266 = arith.constant 16 : i32
        %add3A_267 = arith.addi %squeeze3A_258, %add3A_266 : i32
        %get3A_268 = arith.index_cast %add3A_256 : i32 to index
        %get3A_269 = arith.index_cast %add3A_267 : i32 to index
        %get3A_270 = tpu.vector_load %arg11[%get3A_268, %get3A_269] {strides = array<i32>} : memref<208x128xf32, #tpu.memory_space<vmem>>, vector<16xf32>,
        %add3A_271 = arith.constant 16 : i32
        %add3A_272 = arith.addi %squeeze3A_260, %add3A_271 : i32
        %swap3A_273 = arith.index_cast %add3A_272 : i32 to index
        %swap3A_274 = tpu.vector_load %arg12[%swap3A_273] {strides = array<i32>} : memref<7168xf32, #tpu.memory_space<vmem>>, vector<16xf32>,
        tpu.vector_store %arg12[%swap3A_273], %get3A_270 {strides = array<i32>} : memref<7168xf32, #tpu.memory_space<vmem>>, vector<16xf32>,
        %mul3A_275 = arith.constant 16 : i32
        %mul3A_276 = arith.muli %scan3A_71, %mul3A_275 : i32
        %add3A_277 = arith.constant 9 : i32
        %add3A_278 = arith.addi %mul3A_276, %add3A_277 : i32
        %slice3A_279 = vector.extract_strided_slice %get3A_77 {offsets = [9], sizes = [1], strides = [1]} : vector<16xi32> to vector<1xi32>
        %squeeze3A_280 = vector.extract %slice3A_279[0] : i32 from vector<1xi32>
        %slice3A_281 = vector.extract_strided_slice %get3A_79 {offsets = [9], sizes = [1], strides = [1]} : vector<16xi32> to vector<1xi32>
        %squeeze3A_282 = vector.extract %slice3A_281[0] : i32 from vector<1xi32>
        %get3A_283 = arith.index_cast %add3A_278 : i32 to index
        %get3A_284 = arith.index_cast %squeeze3A_280 : i32 to index
        %get3A_285 = tpu.vector_load %arg11[%get3A_283, %get3A_284] {strides = array<i32>} : memref<208x128xf32, #tpu.memory_space<vmem>>, vector<16xf32>,
        %swap3A_286 = arith.index_cast %squeeze3A_282 : i32 to index
        %swap3A_287 = tpu.vector_load %arg12[%swap3A_286] {strides = array<i32>} : memref<7168xf32, #tpu.memory_space<vmem>>, vector<16xf32>,
        tpu.vector_store %arg12[%swap3A_286], %get3A_285 {strides = array<i32>} : memref<7168xf32, #tpu.memory_space<vmem>>, vector<16xf32>,
        %add3A_288 = arith.constant 16 : i32
        %add3A_289 = arith.addi %squeeze3A_280, %add3A_288 : i32
        %get3A_290 = arith.index_cast %add3A_278 : i32 to index
        %get3A_291 = arith.index_cast %add3A_289 : i32 to index
        %get3A_292 = tpu.vector_load %arg11[%get3A_290, %get3A_291] {strides = array<i32>} : memref<208x128xf32, #tpu.memory_space<vmem>>, vector<16xf32>,
        %add3A_293 = arith.constant 16 : i32
        %add3A_294 = arith.addi %squeeze3A_282, %add3A_293 : i32
        %swap3A_295 = arith.index_cast %add3A_294 : i32 to index
        %swap3A_296 = tpu.vector_load %arg12[%swap3A_295] {strides = array<i32>} : memref<7168xf32, #tpu.memory_space<vmem>>, vector<16xf32>,
        tpu.vector_store %arg12[%swap3A_295], %get3A_292 {strides = array<i32>} : memref<7168xf32, #tpu.memory_space<vmem>>, vector<16xf32>,
        %mul3A_297 = arith.constant 16 : i32
        %mul3A_298 = arith.muli %scan3A_71, %mul3A_297 : i32
        %add3A_299 = arith.constant 10 : i32
        %add3A_300 = arith.addi %mul3A_298, %add3A_299 : i32
        %slice3A_301 = vector.extract_strided_slice %get3A_77 {offsets = [10], sizes = [1], strides = [1]} : vector<16xi32> to vector<1xi32>
        %squeeze3A_302 = vector.extract %slice3A_301[0] : i32 from vector<1xi32>
        %slice3A_303 = vector.extract_strided_slice %get3A_79 {offsets = [10], sizes = [1], strides = [1]} : vector<16xi32> to vector<1xi32>
        %squeeze3A_304 = vector.extract %slice3A_303[0] : i32 from vector<1xi32>
        %get3A_305 = arith.index_cast %add3A_300 : i32 to index
        %get3A_306 = arith.index_cast %squeeze3A_302 : i32 to index
        %get3A_307 = tpu.vector_load %arg11[%get3A_305, %get3A_306] {strides = array<i32>} : memref<208x128xf32, #tpu.memory_space<vmem>>, vector<16xf32>,
        %swap3A_308 = arith.index_cast %squeeze3A_304 : i32 to index
        %swap3A_309 = tpu.vector_load %arg12[%swap3A_308] {strides = array<i32>} : memref<7168xf32, #tpu.memory_space<vmem>>, vector<16xf32>,
        tpu.vector_store %arg12[%swap3A_308], %get3A_307 {strides = array<i32>} : memref<7168xf32, #tpu.memory_space<vmem>>, vector<16xf32>,
        %add3A_310 = arith.constant 16 : i32
        %add3A_311 = arith.addi %squeeze3A_302, %add3A_310 : i32
        %get3A_312 = arith.index_cast %add3A_300 : i32 to index
        %get3A_313 = arith.index_cast %add3A_311 : i32 to index
        %get3A_314 = tpu.vector_load %arg11[%get3A_312, %get3A_313] {strides = array<i32>} : memref<208x128xf32, #tpu.memory_space<vmem>>, vector<16xf32>,
        %add3A_315 = arith.constant 16 : i32
        %add3A_316 = arith.addi %squeeze3A_304, %add3A_315 : i32
        %swap3A_317 = arith.index_cast %add3A_316 : i32 to index
        %swap3A_318 = tpu.vector_load %arg12[%swap3A_317] {strides = array<i32>} : memref<7168xf32, #tpu.memory_space<vmem>>, vector<16xf32>,
        tpu.vector_store %arg12[%swap3A_317], %get3A_314 {strides = array<i32>} : memref<7168xf32, #tpu.memory_space<vmem>>, vector<16xf32>,
        %mul3A_319 = arith.constant 16 : i32
        %mul3A_320 = arith.muli %scan3A_71, %mul3A_319 : i32
        %add3A_321 = arith.constant 11 : i32
        %add3A_322 = arith.addi %mul3A_320, %add3A_321 : i32
        %slice3A_323 = vector.extract_strided_slice %get3A_77 {offsets = [11], sizes = [1], strides = [1]} : vector<16xi32> to vector<1xi32>
        %squeeze3A_324 = vector.extract %slice3A_323[0] : i32 from vector<1xi32>
        %slice3A_325 = vector.extract_strided_slice %get3A_79 {offsets = [11], sizes = [1], strides = [1]} : vector<16xi32> to vector<1xi32>
        %squeeze3A_326 = vector.extract %slice3A_325[0] : i32 from vector<1xi32>
        %get3A_327 = arith.index_cast %add3A_322 : i32 to index
        %get3A_328 = arith.index_cast %squeeze3A_324 : i32 to index
        %get3A_329 = tpu.vector_load %arg11[%get3A_327, %get3A_328] {strides = array<i32>} : memref<208x128xf32, #tpu.memory_space<vmem>>, vector<16xf32>,
        %swap3A_330 = arith.index_cast %squeeze3A_326 : i32 to index
        %swap3A_331 = tpu.vector_load %arg12[%swap3A_330] {strides = array<i32>} : memref<7168xf32, #tpu.memory_space<vmem>>, vector<16xf32>,
        tpu.vector_store %arg12[%swap3A_330], %get3A_329 {strides = array<i32>} : memref<7168xf32, #tpu.memory_space<vmem>>, vector<16xf32>,
        %add3A_332 = arith.constant 16 : i32
        %add3A_333 = arith.addi %squeeze3A_324, %add3A_332 : i32
        %get3A_334 = arith.index_cast %add3A_322 : i32 to index
        %get3A_335 = arith.index_cast %add3A_333 : i32 to index
        %get3A_336 = tpu.vector_load %arg11[%get3A_334, %get3A_335] {strides = array<i32>} : memref<208x128xf32, #tpu.memory_space<vmem>>, vector<16xf32>,
        %add3A_337 = arith.constant 16 : i32
        %add3A_338 = arith.addi %squeeze3A_326, %add3A_337 : i32
        %swap3A_339 = arith.index_cast %add3A_338 : i32 to index
        %swap3A_340 = tpu.vector_load %arg12[%swap3A_339] {strides = array<i32>} : memref<7168xf32, #tpu.memory_space<vmem>>, vector<16xf32>,
        tpu.vector_store %arg12[%swap3A_339], %get3A_336 {strides = array<i32>} : memref<7168xf32, #tpu.memory_space<vmem>>, vector<16xf32>,
        %mul3A_341 = arith.constant 16 : i32
        %mul3A_342 = arith.muli %scan3A_71, %mul3A_341 : i32
        %add3A_343 = arith.constant 12 : i32
        %add3A_344 = arith.addi %mul3A_342, %add3A_343 : i32
        %slice3A_345 = vector.extract_strided_slice %get3A_77 {offsets = [12], sizes = [1], strides = [1]} : vector<16xi32> to vector<1xi32>
        %squeeze3A_346 = vector.extract %slice3A_345[0] : i32 from vector<1xi32>
        %slice3A_347 = vector.extract_strided_slice %get3A_79 {offsets = [12], sizes = [1], strides = [1]} : vector<16xi32> to vector<1xi32>
        %squeeze3A_348 = vector.extract %slice3A_347[0] : i32 from vector<1xi32>
        %get3A_349 = arith.index_cast %add3A_344 : i32 to index
        %get3A_350 = arith.index_cast %squeeze3A_346 : i32 to index
        %get3A_351 = tpu.vector_load %arg11[%get3A_349, %get3A_350] {strides = array<i32>} : memref<208x128xf32, #tpu.memory_space<vmem>>, vector<16xf32>,
        %swap3A_352 = arith.index_cast %squeeze3A_348 : i32 to index
        %swap3A_353 = tpu.vector_load %arg12[%swap3A_352] {strides = array<i32>} : memref<7168xf32, #tpu.memory_space<vmem>>, vector<16xf32>,
        tpu.vector_store %arg12[%swap3A_352], %get3A_351 {strides = array<i32>} : memref<7168xf32, #tpu.memory_space<vmem>>, vector<16xf32>,
        %add3A_354 = arith.constant 16 : i32
        %add3A_355 = arith.addi %squeeze3A_346, %add3A_354 : i32
        %get3A_356 = arith.index_cast %add3A_344 : i32 to index
        %get3A_357 = arith.index_cast %add3A_355 : i32 to index
        %get3A_358 = tpu.vector_load %arg11[%get3A_356, %get3A_357] {strides = array<i32>} : memref<208x128xf32, #tpu.memory_space<vmem>>, vector<16xf32>,
        %add3A_359 = arith.constant 16 : i32
        %add3A_360 = arith.addi %squeeze3A_348, %add3A_359 : i32
        %swap3A_361 = arith.index_cast %add3A_360 : i32 to index
        %swap3A_362 = tpu.vector_load %arg12[%swap3A_361] {strides = array<i32>} : memref<7168xf32, #tpu.memory_space<vmem>>, vector<16xf32>,
        tpu.vector_store %arg12[%swap3A_361], %get3A_358 {strides = array<i32>} : memref<7168xf32, #tpu.memory_space<vmem>>, vector<16xf32>,
        %mul3A_363 = arith.constant 16 : i32
        %mul3A_364 = arith.muli %scan3A_71, %mul3A_363 : i32
        %add3A_365 = arith.constant 13 : i32
        %add3A_366 = arith.addi %mul3A_364, %add3A_365 : i32
        %slice3A_367 = vector.extract_strided_slice %get3A_77 {offsets = [13], sizes = [1], strides = [1]} : vector<16xi32> to vector<1xi32>
        %squeeze3A_368 = vector.extract %slice3A_367[0] : i32 from vector<1xi32>
        %slice3A_369 = vector.extract_strided_slice %get3A_79 {offsets = [13], sizes = [1], strides = [1]} : vector<16xi32> to vector<1xi32>
        %squeeze3A_370 = vector.extract %slice3A_369[0] : i32 from vector<1xi32>
        %get3A_371 = arith.index_cast %add3A_366 : i32 to index
        %get3A_372 = arith.index_cast %squeeze3A_368 : i32 to index
        %get3A_373 = tpu.vector_load %arg11[%get3A_371, %get3A_372] {strides = array<i32>} : memref<208x128xf32, #tpu.memory_space<vmem>>, vector<16xf32>,
        %swap3A_374 = arith.index_cast %squeeze3A_370 : i32 to index
        %swap3A_375 = tpu.vector_load %arg12[%swap3A_374] {strides = array<i32>} : memref<7168xf32, #tpu.memory_space<vmem>>, vector<16xf32>,
        tpu.vector_store %arg12[%swap3A_374], %get3A_373 {strides = array<i32>} : memref<7168xf32, #tpu.memory_space<vmem>>, vector<16xf32>,
        %add3A_376 = arith.constant 16 : i32
        %add3A_377 = arith.addi %squeeze3A_368, %add3A_376 : i32
        %get3A_378 = arith.index_cast %add3A_366 : i32 to index
        %get3A_379 = arith.index_cast %add3A_377 : i32 to index
        %get3A_380 = tpu.vector_load %arg11[%get3A_378, %get3A_379] {strides = array<i32>} : memref<208x128xf32, #tpu.memory_space<vmem>>, vector<16xf32>,
        %add3A_381 = arith.constant 16 : i32
        %add3A_382 = arith.addi %squeeze3A_370, %add3A_381 : i32
        %swap3A_383 = arith.index_cast %add3A_382 : i32 to index
        %swap3A_384 = tpu.vector_load %arg12[%swap3A_383] {strides = array<i32>} : memref<7168xf32, #tpu.memory_space<vmem>>, vector<16xf32>,
        tpu.vector_store %arg12[%swap3A_383], %get3A_380 {strides = array<i32>} : memref<7168xf32, #tpu.memory_space<vmem>>, vector<16xf32>,
        %mul3A_385 = arith.constant 16 : i32
        %mul3A_386 = arith.muli %scan3A_71, %mul3A_385 : i32
        %add3A_387 = arith.constant 14 : i32
        %add3A_388 = arith.addi %mul3A_386, %add3A_387 : i32
        %slice3A_389 = vector.extract_strided_slice %get3A_77 {offsets = [14], sizes = [1], strides = [1]} : vector<16xi32> to vector<1xi32>
        %squeeze3A_390 = vector.extract %slice3A_389[0] : i32 from vector<1xi32>
        %slice3A_391 = vector.extract_strided_slice %get3A_79 {offsets = [14], sizes = [1], strides = [1]} : vector<16xi32> to vector<1xi32>
        %squeeze3A_392 = vector.extract %slice3A_391[0] : i32 from vector<1xi32>
        %get3A_393 = arith.index_cast %add3A_388 : i32 to index
        %get3A_394 = arith.index_cast %squeeze3A_390 : i32 to index
        %get3A_395 = tpu.vector_load %arg11[%get3A_393, %get3A_394] {strides = array<i32>} : memref<208x128xf32, #tpu.memory_space<vmem>>, vector<16xf32>,
        %swap3A_396 = arith.index_cast %squeeze3A_392 : i32 to index
        %swap3A_397 = tpu.vector_load %arg12[%swap3A_396] {strides = array<i32>} : memref<7168xf32, #tpu.memory_space<vmem>>, vector<16xf32>,
        tpu.vector_store %arg12[%swap3A_396], %get3A_395 {strides = array<i32>} : memref<7168xf32, #tpu.memory_space<vmem>>, vector<16xf32>,
        %add3A_398 = arith.constant 16 : i32
        %add3A_399 = arith.addi %squeeze3A_390, %add3A_398 : i32
        %get3A_400 = arith.index_cast %add3A_388 : i32 to index
        %get3A_401 = arith.index_cast %add3A_399 : i32 to index
        %get3A_402 = tpu.vector_load %arg11[%get3A_400, %get3A_401] {strides = array<i32>} : memref<208x128xf32, #tpu.memory_space<vmem>>, vector<16xf32>,
        %add3A_403 = arith.constant 16 : i32
        %add3A_404 = arith.addi %squeeze3A_392, %add3A_403 : i32
        %swap3A_405 = arith.index_cast %add3A_404 : i32 to index
        %swap3A_406 = tpu.vector_load %arg12[%swap3A_405] {strides = array<i32>} : memref<7168xf32, #tpu.memory_space<vmem>>, vector<16xf32>,
        tpu.vector_store %arg12[%swap3A_405], %get3A_402 {strides = array<i32>} : memref<7168xf32, #tpu.memory_space<vmem>>, vector<16xf32>,
        %mul3A_407 = arith.constant 16 : i32
        %mul3A_408 = arith.muli %scan3A_71, %mul3A_407 : i32
        %add3A_409 = arith.constant 15 : i32
        %add3A_410 = arith.addi %mul3A_408, %add3A_409 : i32
        %slice3A_411 = vector.extract_strided_slice %get3A_77 {offsets = [15], sizes = [1], strides = [1]} : vector<16xi32> to vector<1xi32>
        %squeeze3A_412 = vector.extract %slice3A_411[0] : i32 from vector<1xi32>
        %slice3A_413 = vector.extract_strided_slice %get3A_79 {offsets = [15], sizes = [1], strides = [1]} : vector<16xi32> to vector<1xi32>
        %squeeze3A_414 = vector.extract %slice3A_413[0] : i32 from vector<1xi32>
        %get3A_415 = arith.index_cast %add3A_410 : i32 to index
        %get3A_416 = arith.index_cast %squeeze3A_412 : i32 to index
        %get3A_417 = tpu.vector_load %arg11[%get3A_415, %get3A_416] {strides = array<i32>} : memref<208x128xf32, #tpu.memory_space<vmem>>, vector<16xf32>,
        %swap3A_418 = arith.index_cast %squeeze3A_414 : i32 to index
        %swap3A_419 = tpu.vector_load %arg12[%swap3A_418] {strides = array<i32>} : memref<7168xf32, #tpu.memory_space<vmem>>, vector<16xf32>,
        tpu.vector_store %arg12[%swap3A_418], %get3A_417 {strides = array<i32>} : memref<7168xf32, #tpu.memory_space<vmem>>, vector<16xf32>,
        %add3A_420 = arith.constant 16 : i32
        %add3A_421 = arith.addi %squeeze3A_412, %add3A_420 : i32
        %get3A_422 = arith.index_cast %add3A_410 : i32 to index
        %get3A_423 = arith.index_cast %add3A_421 : i32 to index
        %get3A_424 = tpu.vector_load %arg11[%get3A_422, %get3A_423] {strides = array<i32>} : memref<208x128xf32, #tpu.memory_space<vmem>>, vector<16xf32>,
        %add3A_425 = arith.constant 16 : i32
        %add3A_426 = arith.addi %squeeze3A_414, %add3A_425 : i32
        %swap3A_427 = arith.index_cast %add3A_426 : i32 to index
        %swap3A_428 = tpu.vector_load %arg12[%swap3A_427] {strides = array<i32>} : memref<7168xf32, #tpu.memory_space<vmem>>, vector<16xf32>,
        tpu.vector_store %arg12[%swap3A_427], %get3A_424 {strides = array<i32>} : memref<7168xf32, #tpu.memory_space<vmem>>, vector<16xf32>,
      }
      %scan3A_65 = arith.constant 13 : i32
      %mul3A_66 = arith.constant 8 : i32
      %mul3A_67 = arith.muli %add3A_59, %mul3A_66 : i32
      %add3A_68 = arith.addi %mul3A_4, %mul3A_67 : i32
      %mul3A_69 = arith.constant 896 : i32
      %mul3A_70 = arith.muli %add3A_68, %mul3A_69 : i32
      "tpu.region"() ({
        %run_scoped3A = tpu.sem_alloc : memref<!tpu.dma_semaphore, #tpu.memory_space<semaphore_mem>>
        %dma_start3A_71 = tpu.memref_slice %arg6[%mul3A_70] : memref<14680064xf32, #tpu.memory_space<hbm>> -> memref<7168xf32, #tpu.memory_space<hbm>>
        %dma_start3A_72 = tpu.memref_slice %arg6[%mul3A_70] : memref<14680064xf32, #tpu.memory_space<hbm>> -> memref<7168xf32, #tpu.memory_space<hbm>>
        tpu.enqueue_dma source(%arg12 : memref<7168xf32, #tpu.memory_space<vmem>>) target(%dma_start3A_72 : memref<7168xf32, #tpu.memory_space<hbm>>) target_semaphore(%run_scoped3A : memref<!tpu.dma_semaphore, #tpu.memory_space<semaphore_mem>>)
        %dma_wait3A_73 = tpu.memref_slice %arg6[%mul3A_70] : memref<14680064xf32, #tpu.memory_space<hbm>> -> memref<7168xf32, #tpu.memory_space<hbm>>
        %dma_wait3A_74 = tpu.memref_slice %arg6[%mul3A_70] : memref<14680064xf32, #tpu.memory_space<hbm>> -> memref<7168xf32, #tpu.memory_space<hbm>>
        tpu.wait_dma2 semaphore(%run_scoped3A : memref<!tpu.dma_semaphore, #tpu.memory_space<semaphore_mem>>) src(%arg12 : memref<7168xf32, #tpu.memory_space<vmem>>) dst(%dma_wait3A_74 : memref<7168xf32, #tpu.memory_space<hbm>>)
        tpu.yield
      }) : () -> ()
    }
    %scan3A_20 = arith.constant 32 : i32
    return
  }
}

module attributes {stable_mosaic.version = 14 : i64} {
  func.func @_repack_body(%arg0: i32, %arg1: i32, %arg2: memref<1x32x1024xf32, #tpu.memory_space<vmem>>, %arg3: memref<1x32x1024xf32, #tpu.memory_space<vmem>>, %arg4: memref<1x32x1024xf32, #tpu.memory_space<vmem>>, %arg5: memref<1x32x1024xf32, #tpu.memory_space<vmem>>, %arg6: memref<1x1024x128xf32, #tpu.memory_space<vmem>>) attributes {dimension_semantics = [#tpu.dimension_semantics<arbitrary>, #tpu.dimension_semantics<arbitrary>], iteration_bounds = array<i64: 26, 25>, scalar_prefetch = 0 : i64, scratch_operands = 0 : i64, tpu.core_type = #tpu.core_type<tc>, window_params = [{transform_indices = @transform_0, window_bounds = array<i64: 1, 32, 1024>}, {transform_indices = @transform_1, window_bounds = array<i64: 1, 32, 1024>}, {transform_indices = @transform_2, window_bounds = array<i64: 1, 32, 1024>}, {transform_indices = @transform_3, window_bounds = array<i64: 1, 32, 1024>}, {transform_indices = @transform_4, window_bounds = array<i64: 1, 1024, 128>}]} {
    %get3A = arith.constant 0 : index
    %get3A_0 = arith.constant 0 : index
    %get3A_1 = arith.constant 0 : index
    %get3A_2 = vector.load %arg2[%get3A, %get3A_0, %get3A_1] : memref<1x32x1024xf32, #tpu.memory_space<vmem>>, vector<1x32x1024xf32>
    %get3A_3 = vector.shape_cast %get3A_2 : vector<1x32x1024xf32> to vector<32x1024xf32>
    %get3A_4 = arith.constant 0 : index
    %get3A_5 = arith.constant 0 : index
    %get3A_6 = arith.constant 0 : index
    %get3A_7 = vector.load %arg3[%get3A_4, %get3A_5, %get3A_6] : memref<1x32x1024xf32, #tpu.memory_space<vmem>>, vector<1x32x1024xf32>
    %get3A_8 = vector.shape_cast %get3A_7 : vector<1x32x1024xf32> to vector<32x1024xf32>
    %get3A_9 = arith.constant 0 : index
    %get3A_10 = arith.constant 0 : index
    %get3A_11 = arith.constant 0 : index
    %get3A_12 = vector.load %arg4[%get3A_9, %get3A_10, %get3A_11] : memref<1x32x1024xf32, #tpu.memory_space<vmem>>, vector<1x32x1024xf32>
    %get3A_13 = vector.shape_cast %get3A_12 : vector<1x32x1024xf32> to vector<32x1024xf32>
    %get3A_14 = arith.constant 0 : index
    %get3A_15 = arith.constant 0 : index
    %get3A_16 = arith.constant 0 : index
    %get3A_17 = vector.load %arg5[%get3A_14, %get3A_15, %get3A_16] : memref<1x32x1024xf32, #tpu.memory_space<vmem>>, vector<1x32x1024xf32>
    %get3A_18 = vector.shape_cast %get3A_17 : vector<1x32x1024xf32> to vector<32x1024xf32>
    %concatenate3A = tpu.concatenate %get3A_3, %get3A_8, %get3A_13, %get3A_18 in 0 : vector<32x1024xf32>, vector<32x1024xf32>, vector<32x1024xf32>, vector<32x1024xf32> -> vector<128x1024xf32>
    %transpose3A = tpu.transpose %concatenate3A, [1, 0] : vector<128x1024xf32> -> vector<1024x128xf32>
    %swap3A = arith.constant 0 : index
    %swap3A_19 = arith.constant 0 : index
    %swap3A_20 = arith.constant 0 : index
    %swap3A_21 = vector.load %arg6[%swap3A, %swap3A_19, %swap3A_20] : memref<1x1024x128xf32, #tpu.memory_space<vmem>>, vector<1x1024x128xf32>
    %swap3A_22 = vector.shape_cast %swap3A_21 : vector<1x1024x128xf32> to vector<1024x128xf32>
    %swap3A_23 = vector.shape_cast %transpose3A : vector<1024x128xf32> to vector<1x1024x128xf32>
    tpu.vector_store %arg6[%swap3A, %swap3A_19, %swap3A_20], %swap3A_23 {strides = array<i32>} : memref<1x1024x128xf32, #tpu.memory_space<vmem>>, vector<1x1024x128xf32>,
    return
  }
  func.func @transform_0(%arg0: i32, %arg1: i32) -> (i32, i32, i32) {
    %mul3A = arith.constant 4 : i32
    %mul3A_0 = arith.muli %mul3A, %arg1 : i32
    %add3A = arith.constant 0 : i32
    %add3A_1 = arith.addi %mul3A_0, %add3A : i32
    %min3A = arith.constant 97 : i32
    %min3A_2 = arith.minsi %add3A_1, %min3A : i32
    %c0_i32 = arith.constant 0 : i32
    %c0_i32_3 = arith.constant 0 : i32
    return %arg0, %c0_i32, %min3A_2 : i32, i32, i32
  }
  func.func @transform_1(%arg0: i32, %arg1: i32) -> (i32, i32, i32) {
    %mul3A = arith.constant 4 : i32
    %mul3A_0 = arith.muli %mul3A, %arg1 : i32
    %add3A = arith.constant 1 : i32
    %add3A_1 = arith.addi %mul3A_0, %add3A : i32
    %min3A = arith.constant 97 : i32
    %min3A_2 = arith.minsi %add3A_1, %min3A : i32
    %c0_i32 = arith.constant 0 : i32
    %c0_i32_3 = arith.constant 0 : i32
    return %arg0, %c0_i32, %min3A_2 : i32, i32, i32
  }
  func.func @transform_2(%arg0: i32, %arg1: i32) -> (i32, i32, i32) {
    %mul3A = arith.constant 4 : i32
    %mul3A_0 = arith.muli %mul3A, %arg1 : i32
    %add3A = arith.constant 2 : i32
    %add3A_1 = arith.addi %mul3A_0, %add3A : i32
    %min3A = arith.constant 97 : i32
    %min3A_2 = arith.minsi %add3A_1, %min3A : i32
    %c0_i32 = arith.constant 0 : i32
    %c0_i32_3 = arith.constant 0 : i32
    return %arg0, %c0_i32, %min3A_2 : i32, i32, i32
  }
  func.func @transform_3(%arg0: i32, %arg1: i32) -> (i32, i32, i32) {
    %mul3A = arith.constant 4 : i32
    %mul3A_0 = arith.muli %mul3A, %arg1 : i32
    %add3A = arith.constant 3 : i32
    %add3A_1 = arith.addi %mul3A_0, %add3A : i32
    %min3A = arith.constant 97 : i32
    %min3A_2 = arith.minsi %add3A_1, %min3A : i32
    %c0_i32 = arith.constant 0 : i32
    %c0_i32_3 = arith.constant 0 : i32
    return %arg0, %c0_i32, %min3A_2 : i32, i32, i32
  }
  func.func @transform_4(%arg0: i32, %arg1: i32) -> (i32, i32, i32) {
    %c0_i32 = arith.constant 0 : i32
    %c0_i32_0 = arith.constant 0 : i32
    return %arg0, %arg1, %c0_i32 : i32, i32, i32
  }
}

module attributes {stable_mosaic.version = 14 : i64} {
  func.func @_k1_body(%arg0: i32, %arg1: memref<1024x896xf32, #tpu.memory_space<vmem>>, %arg2: memref<16384x13xf32, #tpu.memory_space<vmem>>, %arg3: memref<512x896xf32, #tpu.memory_space<vmem>>, %arg4: memref<512x13xf32, #tpu.memory_space<vmem>>, %arg5: memref<1x512xf32, #tpu.memory_space<vmem>>, %arg6: memref<1x13xf32, #tpu.memory_space<vmem>>, %arg7: memref<1x13xf32, #tpu.memory_space<vmem>>, %arg8: memref<1024x512xf32, #tpu.memory_space<vmem>>, %arg9: memref<8x512xf32, #tpu.memory_space<vmem>>) attributes {dimension_semantics = [#tpu.dimension_semantics<arbitrary>], iteration_bounds = array<i64: 16>, scalar_prefetch = 0 : i64, scratch_operands = 0 : i64, tpu.core_type = #tpu.core_type<tc>, window_params = [{transform_indices = @transform_0, window_bounds = array<i64: 1024, 896>}, {pipeline_mode = #tpu.pipeline_mode<synchronous>, transform_indices = @transform_1, window_bounds = array<i64: 16384, 13>}, {pipeline_mode = #tpu.pipeline_mode<synchronous>, transform_indices = @transform_2, window_bounds = array<i64: 512, 896>}, {pipeline_mode = #tpu.pipeline_mode<synchronous>, transform_indices = @transform_3, window_bounds = array<i64: 512, 13>}, {pipeline_mode = #tpu.pipeline_mode<synchronous>, transform_indices = @transform_4, window_bounds = array<i64: 1, 512>}, {pipeline_mode = #tpu.pipeline_mode<synchronous>, transform_indices = @transform_5, window_bounds = array<i64: 1, 13>}, {pipeline_mode = #tpu.pipeline_mode<synchronous>, transform_indices = @transform_6, window_bounds = array<i64: 1, 13>}, {transform_indices = @transform_7, window_bounds = array<i64: 1024, 512>}, {pipeline_mode = #tpu.pipeline_mode<synchronous>, transform_indices = @transform_8, window_bounds = array<i64: 8, 512>}]} {
    %get3A = arith.constant 0 : index
    %get3A_0 = arith.constant 0 : index
    %get3A_1 = vector.load %arg2[%get3A, %get3A_0] : memref<16384x13xf32, #tpu.memory_space<vmem>>, vector<16384x13xf32>
    %reduce_sum3A = arith.constant dense<0.000000e+00> : vector<13xf32>
    %reduce_sum3A_2 = vector.multi_reduction <add>, %get3A_1, %reduce_sum3A [0] : vector<16384x13xf32> to vector<13xf32>
    %broadcast_in_dim3A = vector.shape_cast %reduce_sum3A_2 : vector<13xf32> to vector<1x13xf32>
    %div3A = arith.constant 1.638400e+04 : f32
    %div3A_3 = vector.broadcast %div3A : f32 to vector<1x13xf32>
    %div3A_4 = arith.divf %broadcast_in_dim3A, %div3A_3 : vector<1x13xf32>
    %mul3A = arith.mulf %get3A_1, %get3A_1 : vector<16384x13xf32>
    %reduce_sum3A_5 = arith.constant dense<0.000000e+00> : vector<13xf32>
    %reduce_sum3A_6 = vector.multi_reduction <add>, %mul3A, %reduce_sum3A_5 [0] : vector<16384x13xf32> to vector<13xf32>
    %broadcast_in_dim3A_7 = vector.shape_cast %reduce_sum3A_6 : vector<13xf32> to vector<1x13xf32>
    %div3A_8 = arith.constant 1.638400e+04 : f32
    %div3A_9 = vector.broadcast %div3A_8 : f32 to vector<1x13xf32>
    %div3A_10 = arith.divf %broadcast_in_dim3A_7, %div3A_9 : vector<1x13xf32>
    %mul3A_11 = arith.mulf %div3A_4, %div3A_4 : vector<1x13xf32>
    %sub3A = arith.subf %div3A_10, %mul3A_11 : vector<1x13xf32>
    %get3A_12 = arith.constant 0 : index
    %get3A_13 = arith.constant 0 : index
    %get3A_14 = vector.load %arg6[%get3A_12, %get3A_13] : memref<1x13xf32, #tpu.memory_space<vmem>>, vector<1x13xf32>
    %add3A = arith.constant 9.99999974E-6 : f32
    %add3A_15 = vector.broadcast %add3A : f32 to vector<1x13xf32>
    %add3A_16 = arith.addf %sub3A, %add3A_15 : vector<1x13xf32>
    %rsqrt3A = math.rsqrt %add3A_16 : vector<1x13xf32>
    %mul3A_17 = arith.mulf %get3A_14, %rsqrt3A : vector<1x13xf32>
    %get3A_18 = arith.constant 0 : index
    %get3A_19 = arith.constant 0 : index
    %get3A_20 = vector.load %arg7[%get3A_18, %get3A_19] : memref<1x13xf32, #tpu.memory_space<vmem>>, vector<1x13xf32>
    %mul3A_21 = arith.mulf %div3A_4, %mul3A_17 : vector<1x13xf32>
    %sub3A_22 = arith.subf %get3A_20, %mul3A_21 : vector<1x13xf32>
    %mul3A_23 = arith.constant 1024 : i32
    %mul3A_24 = arith.muli %arg0, %mul3A_23 : i32
    %get3A_25 = arith.index_cast %mul3A_24 : i32 to index
    %get3A_26 = arith.constant 0 : index
    %get3A_27 = vector.load %arg2[%get3A_25, %get3A_26] : memref<16384x13xf32, #tpu.memory_space<vmem>>, vector<1024x13xf32>
    %mul3A_28 = vector.broadcast %mul3A_17 : vector<1x13xf32> to vector<1024x13xf32>
    %mul3A_29 = arith.mulf %get3A_27, %mul3A_28 : vector<1024x13xf32>
    %add3A_30 = vector.broadcast %sub3A_22 : vector<1x13xf32> to vector<1024x13xf32>
    %add3A_31 = arith.addf %mul3A_29, %add3A_30 : vector<1024x13xf32>
    %get3A_32 = arith.constant 0 : index
    %get3A_33 = arith.constant 0 : index
    %get3A_34 = vector.load %arg1[%get3A_32, %get3A_33] : memref<1024x896xf32, #tpu.memory_space<vmem>>, vector<1024x896xf32>
    %get3A_35 = arith.constant 0 : index
    %get3A_36 = arith.constant 0 : index
    %get3A_37 = vector.load %arg3[%get3A_35, %get3A_36] : memref<512x896xf32, #tpu.memory_space<vmem>>, vector<512x896xf32>
    %dot_general3A = arith.constant dense<0.000000e+00> : vector<1024x512xf32>
    %dot_general3A_38 = tpu.matmul %get3A_34, %get3A_37, %dot_general3A {dimension_numbers = #tpu.dot_dimension_numbers<[1], [1], [0], [0], [0, 0, 1, 0], [], []>, precision = #tpu.contract_precision<fp32>, transpose_lhs_hint = false} : vector<1024x896xf32>, vector<512x896xf32>, vector<1024x512xf32> -> vector<1024x512xf32>
    %get3A_39 = arith.constant 0 : index
    %get3A_40 = arith.constant 0 : index
    %get3A_41 = vector.load %arg4[%get3A_39, %get3A_40] : memref<512x13xf32, #tpu.memory_space<vmem>>, vector<512x13xf32>
    %dot_general3A_42 = arith.constant dense<0.000000e+00> : vector<1024x512xf32>
    %dot_general3A_43 = tpu.matmul %add3A_31, %get3A_41, %dot_general3A_42 {dimension_numbers = #tpu.dot_dimension_numbers<[1], [1], [0], [0], [0, 0, 1, 0], [], []>, precision = #tpu.contract_precision<fp32>, transpose_lhs_hint = false} : vector<1024x13xf32>, vector<512x13xf32>, vector<1024x512xf32> -> vector<1024x512xf32>
    %add3A_44 = arith.addf %dot_general3A_38, %dot_general3A_43 : vector<1024x512xf32>
    %get3A_45 = arith.constant 0 : index
    %get3A_46 = arith.constant 0 : index
    %get3A_47 = vector.load %arg5[%get3A_45, %get3A_46] : memref<1x512xf32, #tpu.memory_space<vmem>>, vector<1x512xf32>
    %add3A_48 = vector.broadcast %get3A_47 : vector<1x512xf32> to vector<1024x512xf32>
    %add3A_49 = arith.addf %add3A_44, %add3A_48 : vector<1024x512xf32>
    %max3A = arith.constant 0.000000e+00 : f32
    %max3A_50 = vector.broadcast %max3A : f32 to vector<1024x512xf32>
    %max3A_51 = arith.maximumf %add3A_49, %max3A_50 : vector<1024x512xf32>
    %swap3A = arith.constant 0 : index
    %swap3A_52 = arith.constant 0 : index
    %swap3A_53 = vector.load %arg8[%swap3A, %swap3A_52] : memref<1024x512xf32, #tpu.memory_space<vmem>>, vector<1024x512xf32>
    tpu.vector_store %arg8[%swap3A, %swap3A_52], %max3A_51 {strides = array<i32>} : memref<1024x512xf32, #tpu.memory_space<vmem>>, vector<1024x512xf32>,
    %eq3A = arith.constant 0 : i32
    %eq3A_54 = arith.cmpi eq, %arg0, %eq3A : i32
    %convert_element_type3A = arith.extui %eq3A_54 : i1 to i32
    %cond3A = arith.constant 0 : i32
    %cond3A_55 = arith.cmpi ne, %convert_element_type3A, %cond3A : i32
    scf.if %cond3A_55 {
      %broadcast_in_dim3A_77 = arith.constant 0.000000e+00 : f32
      %broadcast_in_dim3A_78 = vector.broadcast %broadcast_in_dim3A_77 : f32 to vector<8x512xf32>
      %swap3A_79 = arith.constant 0 : index
      %swap3A_80 = arith.constant 0 : index
      %swap3A_81 = vector.load %arg9[%swap3A_79, %swap3A_80] : memref<8x512xf32, #tpu.memory_space<vmem>>, vector<8x512xf32>
      tpu.vector_store %arg9[%swap3A_79, %swap3A_80], %broadcast_in_dim3A_78 {strides = array<i32>} : memref<8x512xf32, #tpu.memory_space<vmem>>, vector<8x512xf32>,
    } else {
    }
    %get3A_56 = arith.constant 0 : index
    %get3A_57 = arith.constant 0 : index
    %get3A_58 = vector.load %arg9[%get3A_56, %get3A_57] : memref<8x512xf32, #tpu.memory_space<vmem>>, vector<1x512xf32>
    %reduce_sum3A_59 = arith.constant dense<0.000000e+00> : vector<512xf32>
    %reduce_sum3A_60 = vector.multi_reduction <add>, %max3A_51, %reduce_sum3A_59 [0] : vector<1024x512xf32> to vector<512xf32>
    %broadcast_in_dim3A_61 = vector.shape_cast %reduce_sum3A_60 : vector<512xf32> to vector<1x512xf32>
    %add3A_62 = arith.addf %get3A_58, %broadcast_in_dim3A_61 : vector<1x512xf32>
    %swap3A_63 = arith.constant 0 : index
    %swap3A_64 = arith.constant 0 : index
    %swap3A_65 = vector.load %arg9[%swap3A_63, %swap3A_64] : memref<8x512xf32, #tpu.memory_space<vmem>>, vector<1x512xf32>
    tpu.vector_store %arg9[%swap3A_63, %swap3A_64], %add3A_62 {strides = array<i32>} : memref<8x512xf32, #tpu.memory_space<vmem>>, vector<1x512xf32>,
    %get3A_66 = arith.constant 1 : index
    %get3A_67 = arith.constant 0 : index
    %get3A_68 = vector.load %arg9[%get3A_66, %get3A_67] : memref<8x512xf32, #tpu.memory_space<vmem>>, vector<1x512xf32>
    %mul3A_69 = arith.mulf %max3A_51, %max3A_51 : vector<1024x512xf32>
    %reduce_sum3A_70 = arith.constant dense<0.000000e+00> : vector<512xf32>
    %reduce_sum3A_71 = vector.multi_reduction <add>, %mul3A_69, %reduce_sum3A_70 [0] : vector<1024x512xf32> to vector<512xf32>
    %broadcast_in_dim3A_72 = vector.shape_cast %reduce_sum3A_71 : vector<512xf32> to vector<1x512xf32>
    %add3A_73 = arith.addf %get3A_68, %broadcast_in_dim3A_72 : vector<1x512xf32>
    %swap3A_74 = arith.constant 1 : index
    %swap3A_75 = arith.constant 0 : index
    %swap3A_76 = vector.load %arg9[%swap3A_74, %swap3A_75] : memref<8x512xf32, #tpu.memory_space<vmem>>, vector<1x512xf32>
    tpu.vector_store %arg9[%swap3A_74, %swap3A_75], %add3A_73 {strides = array<i32>} : memref<8x512xf32, #tpu.memory_space<vmem>>, vector<1x512xf32>,
    return
  }
  func.func @transform_0(%arg0: i32) -> (i32, i32) {
    %c0_i32 = arith.constant 0 : i32
    %c0_i32_0 = arith.constant 0 : i32
    return %arg0, %c0_i32 : i32, i32
  }
  func.func @transform_1(%arg0: i32) -> (i32, i32) {
    %c0_i32 = arith.constant 0 : i32
    %c0_i32_0 = arith.constant 0 : i32
    %c0_i32_1 = arith.constant 0 : i32
    return %c0_i32, %c0_i32_0 : i32, i32
  }
  func.func @transform_2(%arg0: i32) -> (i32, i32) {
    %c0_i32 = arith.constant 0 : i32
    %c0_i32_0 = arith.constant 0 : i32
    %c0_i32_1 = arith.constant 0 : i32
    return %c0_i32, %c0_i32_0 : i32, i32
  }
  func.func @transform_3(%arg0: i32) -> (i32, i32) {
    %c0_i32 = arith.constant 0 : i32
    %c0_i32_0 = arith.constant 0 : i32
    %c0_i32_1 = arith.constant 0 : i32
    return %c0_i32, %c0_i32_0 : i32, i32
  }
  func.func @transform_4(%arg0: i32) -> (i32, i32) {
    %c0_i32 = arith.constant 0 : i32
    %c0_i32_0 = arith.constant 0 : i32
    %c0_i32_1 = arith.constant 0 : i32
    return %c0_i32, %c0_i32_0 : i32, i32
  }
  func.func @transform_5(%arg0: i32) -> (i32, i32) {
    %c0_i32 = arith.constant 0 : i32
    %c0_i32_0 = arith.constant 0 : i32
    %c0_i32_1 = arith.constant 0 : i32
    return %c0_i32, %c0_i32_0 : i32, i32
  }
  func.func @transform_6(%arg0: i32) -> (i32, i32) {
    %c0_i32 = arith.constant 0 : i32
    %c0_i32_0 = arith.constant 0 : i32
    %c0_i32_1 = arith.constant 0 : i32
    return %c0_i32, %c0_i32_0 : i32, i32
  }
  func.func @transform_7(%arg0: i32) -> (i32, i32) {
    %c0_i32 = arith.constant 0 : i32
    %c0_i32_0 = arith.constant 0 : i32
    return %arg0, %c0_i32 : i32, i32
  }
  func.func @transform_8(%arg0: i32) -> (i32, i32) {
    %c0_i32 = arith.constant 0 : i32
    %c0_i32_0 = arith.constant 0 : i32
    %c0_i32_1 = arith.constant 0 : i32
    return %c0_i32, %c0_i32_0 : i32, i32
  }
}

module attributes {stable_mosaic.version = 14 : i64} {
  func.func @_k2_body(%arg0: i32, %arg1: memref<1024x512xf32, #tpu.memory_space<vmem>>, %arg2: memref<8x512xf32, #tpu.memory_space<vmem>>, %arg3: memref<256x512xf32, #tpu.memory_space<vmem>>, %arg4: memref<1x256xf32, #tpu.memory_space<vmem>>, %arg5: memref<1x512xf32, #tpu.memory_space<vmem>>, %arg6: memref<1x512xf32, #tpu.memory_space<vmem>>, %arg7: memref<1024x256xf32, #tpu.memory_space<vmem>>, %arg8: memref<8x256xf32, #tpu.memory_space<vmem>>) attributes {dimension_semantics = [#tpu.dimension_semantics<arbitrary>], iteration_bounds = array<i64: 16>, scalar_prefetch = 0 : i64, scratch_operands = 0 : i64, tpu.core_type = #tpu.core_type<tc>, window_params = [{transform_indices = @transform_0, window_bounds = array<i64: 1024, 512>}, {pipeline_mode = #tpu.pipeline_mode<synchronous>, transform_indices = @transform_1, window_bounds = array<i64: 8, 512>}, {pipeline_mode = #tpu.pipeline_mode<synchronous>, transform_indices = @transform_2, window_bounds = array<i64: 256, 512>}, {pipeline_mode = #tpu.pipeline_mode<synchronous>, transform_indices = @transform_3, window_bounds = array<i64: 1, 256>}, {pipeline_mode = #tpu.pipeline_mode<synchronous>, transform_indices = @transform_4, window_bounds = array<i64: 1, 512>}, {pipeline_mode = #tpu.pipeline_mode<synchronous>, transform_indices = @transform_5, window_bounds = array<i64: 1, 512>}, {transform_indices = @transform_6, window_bounds = array<i64: 1024, 256>}, {pipeline_mode = #tpu.pipeline_mode<synchronous>, transform_indices = @transform_7, window_bounds = array<i64: 8, 256>}]} {
    %get3A = arith.constant 0 : index
    %get3A_0 = arith.constant 0 : index
    %get3A_1 = vector.load %arg2[%get3A, %get3A_0] : memref<8x512xf32, #tpu.memory_space<vmem>>, vector<1x512xf32>
    %mul3A = arith.constant 6.10351563E-5 : f32
    %mul3A_2 = vector.broadcast %mul3A : f32 to vector<1x512xf32>
    %mul3A_3 = arith.mulf %get3A_1, %mul3A_2 : vector<1x512xf32>
    %get3A_4 = arith.constant 1 : index
    %get3A_5 = arith.constant 0 : index
    %get3A_6 = vector.load %arg2[%get3A_4, %get3A_5] : memref<8x512xf32, #tpu.memory_space<vmem>>, vector<1x512xf32>
    %mul3A_7 = arith.constant 6.10351563E-5 : f32
    %mul3A_8 = vector.broadcast %mul3A_7 : f32 to vector<1x512xf32>
    %mul3A_9 = arith.mulf %get3A_6, %mul3A_8 : vector<1x512xf32>
    %mul3A_10 = arith.mulf %mul3A_3, %mul3A_3 : vector<1x512xf32>
    %sub3A = arith.subf %mul3A_9, %mul3A_10 : vector<1x512xf32>
    %get3A_11 = arith.constant 0 : index
    %get3A_12 = arith.constant 0 : index
    %get3A_13 = vector.load %arg5[%get3A_11, %get3A_12] : memref<1x512xf32, #tpu.memory_space<vmem>>, vector<1x512xf32>
    %add3A = arith.constant 9.99999974E-6 : f32
    %add3A_14 = vector.broadcast %add3A : f32 to vector<1x512xf32>
    %add3A_15 = arith.addf %sub3A, %add3A_14 : vector<1x512xf32>
    %rsqrt3A = math.rsqrt %add3A_15 : vector<1x512xf32>
    %mul3A_16 = arith.mulf %get3A_13, %rsqrt3A : vector<1x512xf32>
    %get3A_17 = arith.constant 0 : index
    %get3A_18 = arith.constant 0 : index
    %get3A_19 = vector.load %arg6[%get3A_17, %get3A_18] : memref<1x512xf32, #tpu.memory_space<vmem>>, vector<1x512xf32>
    %mul3A_20 = arith.mulf %mul3A_3, %mul3A_16 : vector<1x512xf32>
    %sub3A_21 = arith.subf %get3A_19, %mul3A_20 : vector<1x512xf32>
    %get3A_22 = arith.constant 0 : index
    %get3A_23 = arith.constant 0 : index
    %get3A_24 = vector.load %arg1[%get3A_22, %get3A_23] : memref<1024x512xf32, #tpu.memory_space<vmem>>, vector<1024x512xf32>
    %mul3A_25 = vector.broadcast %mul3A_16 : vector<1x512xf32> to vector<1024x512xf32>
    %mul3A_26 = arith.mulf %get3A_24, %mul3A_25 : vector<1024x512xf32>
    %add3A_27 = vector.broadcast %sub3A_21 : vector<1x512xf32> to vector<1024x512xf32>
    %add3A_28 = arith.addf %mul3A_26, %add3A_27 : vector<1024x512xf32>
    %get3A_29 = arith.constant 0 : index
    %get3A_30 = arith.constant 0 : index
    %get3A_31 = vector.load %arg3[%get3A_29, %get3A_30] : memref<256x512xf32, #tpu.memory_space<vmem>>, vector<256x512xf32>
    %dot_general3A = arith.constant dense<0.000000e+00> : vector<1024x256xf32>
    %dot_general3A_32 = tpu.matmul %add3A_28, %get3A_31, %dot_general3A {dimension_numbers = #tpu.dot_dimension_numbers<[1], [1], [0], [0], [0, 0, 1, 0], [], []>, precision = #tpu.contract_precision<fp32>, transpose_lhs_hint = false} : vector<1024x512xf32>, vector<256x512xf32>, vector<1024x256xf32> -> vector<1024x256xf32>
    %get3A_33 = arith.constant 0 : index
    %get3A_34 = arith.constant 0 : index
    %get3A_35 = vector.load %arg4[%get3A_33, %get3A_34] : memref<1x256xf32, #tpu.memory_space<vmem>>, vector<1x256xf32>
    %add3A_36 = vector.broadcast %get3A_35 : vector<1x256xf32> to vector<1024x256xf32>
    %add3A_37 = arith.addf %dot_general3A_32, %add3A_36 : vector<1024x256xf32>
    %max3A = arith.constant 0.000000e+00 : f32
    %max3A_38 = vector.broadcast %max3A : f32 to vector<1024x256xf32>
    %max3A_39 = arith.maximumf %add3A_37, %max3A_38 : vector<1024x256xf32>
    %swap3A = arith.constant 0 : index
    %swap3A_40 = arith.constant 0 : index
    %swap3A_41 = vector.load %arg7[%swap3A, %swap3A_40] : memref<1024x256xf32, #tpu.memory_space<vmem>>, vector<1024x256xf32>
    tpu.vector_store %arg7[%swap3A, %swap3A_40], %max3A_39 {strides = array<i32>} : memref<1024x256xf32, #tpu.memory_space<vmem>>, vector<1024x256xf32>,
    %eq3A = arith.constant 0 : i32
    %eq3A_42 = arith.cmpi eq, %arg0, %eq3A : i32
    %convert_element_type3A = arith.extui %eq3A_42 : i1 to i32
    %cond3A = arith.constant 0 : i32
    %cond3A_43 = arith.cmpi ne, %convert_element_type3A, %cond3A : i32
    scf.if %cond3A_43 {
      %broadcast_in_dim3A_63 = arith.constant 0.000000e+00 : f32
      %broadcast_in_dim3A_64 = vector.broadcast %broadcast_in_dim3A_63 : f32 to vector<8x256xf32>
      %swap3A_65 = arith.constant 0 : index
      %swap3A_66 = arith.constant 0 : index
      %swap3A_67 = vector.load %arg8[%swap3A_65, %swap3A_66] : memref<8x256xf32, #tpu.memory_space<vmem>>, vector<8x256xf32>
      tpu.vector_store %arg8[%swap3A_65, %swap3A_66], %broadcast_in_dim3A_64 {strides = array<i32>} : memref<8x256xf32, #tpu.memory_space<vmem>>, vector<8x256xf32>,
    } else {
    }
    %get3A_44 = arith.constant 0 : index
    %get3A_45 = arith.constant 0 : index
    %get3A_46 = vector.load %arg8[%get3A_44, %get3A_45] : memref<8x256xf32, #tpu.memory_space<vmem>>, vector<1x256xf32>
    %reduce_sum3A = arith.constant dense<0.000000e+00> : vector<256xf32>
    %reduce_sum3A_47 = vector.multi_reduction <add>, %max3A_39, %reduce_sum3A [0] : vector<1024x256xf32> to vector<256xf32>
    %broadcast_in_dim3A = vector.shape_cast %reduce_sum3A_47 : vector<256xf32> to vector<1x256xf32>
    %add3A_48 = arith.addf %get3A_46, %broadcast_in_dim3A : vector<1x256xf32>
    %swap3A_49 = arith.constant 0 : index
    %swap3A_50 = arith.constant 0 : index
    %swap3A_51 = vector.load %arg8[%swap3A_49, %swap3A_50] : memref<8x256xf32, #tpu.memory_space<vmem>>, vector<1x256xf32>
    tpu.vector_store %arg8[%swap3A_49, %swap3A_50], %add3A_48 {strides = array<i32>} : memref<8x256xf32, #tpu.memory_space<vmem>>, vector<1x256xf32>,
    %get3A_52 = arith.constant 1 : index
    %get3A_53 = arith.constant 0 : index
    %get3A_54 = vector.load %arg8[%get3A_52, %get3A_53] : memref<8x256xf32, #tpu.memory_space<vmem>>, vector<1x256xf32>
    %mul3A_55 = arith.mulf %max3A_39, %max3A_39 : vector<1024x256xf32>
    %reduce_sum3A_56 = arith.constant dense<0.000000e+00> : vector<256xf32>
    %reduce_sum3A_57 = vector.multi_reduction <add>, %mul3A_55, %reduce_sum3A_56 [0] : vector<1024x256xf32> to vector<256xf32>
    %broadcast_in_dim3A_58 = vector.shape_cast %reduce_sum3A_57 : vector<256xf32> to vector<1x256xf32>
    %add3A_59 = arith.addf %get3A_54, %broadcast_in_dim3A_58 : vector<1x256xf32>
    %swap3A_60 = arith.constant 1 : index
    %swap3A_61 = arith.constant 0 : index
    %swap3A_62 = vector.load %arg8[%swap3A_60, %swap3A_61] : memref<8x256xf32, #tpu.memory_space<vmem>>, vector<1x256xf32>
    tpu.vector_store %arg8[%swap3A_60, %swap3A_61], %add3A_59 {strides = array<i32>} : memref<8x256xf32, #tpu.memory_space<vmem>>, vector<1x256xf32>,
    return
  }
  func.func @transform_0(%arg0: i32) -> (i32, i32) {
    %c0_i32 = arith.constant 0 : i32
    %c0_i32_0 = arith.constant 0 : i32
    return %arg0, %c0_i32 : i32, i32
  }
  func.func @transform_1(%arg0: i32) -> (i32, i32) {
    %c0_i32 = arith.constant 0 : i32
    %c0_i32_0 = arith.constant 0 : i32
    %c0_i32_1 = arith.constant 0 : i32
    return %c0_i32, %c0_i32_0 : i32, i32
  }
  func.func @transform_2(%arg0: i32) -> (i32, i32) {
    %c0_i32 = arith.constant 0 : i32
    %c0_i32_0 = arith.constant 0 : i32
    %c0_i32_1 = arith.constant 0 : i32
    return %c0_i32, %c0_i32_0 : i32, i32
  }
  func.func @transform_3(%arg0: i32) -> (i32, i32) {
    %c0_i32 = arith.constant 0 : i32
    %c0_i32_0 = arith.constant 0 : i32
    %c0_i32_1 = arith.constant 0 : i32
    return %c0_i32, %c0_i32_0 : i32, i32
  }
  func.func @transform_4(%arg0: i32) -> (i32, i32) {
    %c0_i32 = arith.constant 0 : i32
    %c0_i32_0 = arith.constant 0 : i32
    %c0_i32_1 = arith.constant 0 : i32
    return %c0_i32, %c0_i32_0 : i32, i32
  }
  func.func @transform_5(%arg0: i32) -> (i32, i32) {
    %c0_i32 = arith.constant 0 : i32
    %c0_i32_0 = arith.constant 0 : i32
    %c0_i32_1 = arith.constant 0 : i32
    return %c0_i32, %c0_i32_0 : i32, i32
  }
  func.func @transform_6(%arg0: i32) -> (i32, i32) {
    %c0_i32 = arith.constant 0 : i32
    %c0_i32_0 = arith.constant 0 : i32
    return %arg0, %c0_i32 : i32, i32
  }
  func.func @transform_7(%arg0: i32) -> (i32, i32) {
    %c0_i32 = arith.constant 0 : i32
    %c0_i32_0 = arith.constant 0 : i32
    %c0_i32_1 = arith.constant 0 : i32
    return %c0_i32, %c0_i32_0 : i32, i32
  }
}

module attributes {stable_mosaic.version = 14 : i64} {
  func.func @_k3_body(%arg0: i32, %arg1: memref<1024x256xf32, #tpu.memory_space<vmem>>, %arg2: memref<8x256xf32, #tpu.memory_space<vmem>>, %arg3: memref<1x256xf32, #tpu.memory_space<vmem>>, %arg4: memref<1x1xf32, #tpu.memory_space<vmem>>, %arg5: memref<1x256xf32, #tpu.memory_space<vmem>>, %arg6: memref<1x256xf32, #tpu.memory_space<vmem>>, %arg7: memref<1024x1xf32, #tpu.memory_space<vmem>>) attributes {dimension_semantics = [#tpu.dimension_semantics<arbitrary>], iteration_bounds = array<i64: 16>, scalar_prefetch = 0 : i64, scratch_operands = 0 : i64, tpu.core_type = #tpu.core_type<tc>, window_params = [{transform_indices = @transform_0, window_bounds = array<i64: 1024, 256>}, {pipeline_mode = #tpu.pipeline_mode<synchronous>, transform_indices = @transform_1, window_bounds = array<i64: 8, 256>}, {pipeline_mode = #tpu.pipeline_mode<synchronous>, transform_indices = @transform_2, window_bounds = array<i64: 1, 256>}, {pipeline_mode = #tpu.pipeline_mode<synchronous>, transform_indices = @transform_3, window_bounds = array<i64: 1, 1>}, {pipeline_mode = #tpu.pipeline_mode<synchronous>, transform_indices = @transform_4, window_bounds = array<i64: 1, 256>}, {pipeline_mode = #tpu.pipeline_mode<synchronous>, transform_indices = @transform_5, window_bounds = array<i64: 1, 256>}, {transform_indices = @transform_6, window_bounds = array<i64: 1024, 1>}]} {
    %get3A = arith.constant 0 : index
    %get3A_0 = arith.constant 0 : index
    %get3A_1 = vector.load %arg2[%get3A, %get3A_0] : memref<8x256xf32, #tpu.memory_space<vmem>>, vector<1x256xf32>
    %mul3A = arith.constant 6.10351563E-5 : f32
    %mul3A_2 = vector.broadcast %mul3A : f32 to vector<1x256xf32>
    %mul3A_3 = arith.mulf %get3A_1, %mul3A_2 : vector<1x256xf32>
    %get3A_4 = arith.constant 1 : index
    %get3A_5 = arith.constant 0 : index
    %get3A_6 = vector.load %arg2[%get3A_4, %get3A_5] : memref<8x256xf32, #tpu.memory_space<vmem>>, vector<1x256xf32>
    %mul3A_7 = arith.constant 6.10351563E-5 : f32
    %mul3A_8 = vector.broadcast %mul3A_7 : f32 to vector<1x256xf32>
    %mul3A_9 = arith.mulf %get3A_6, %mul3A_8 : vector<1x256xf32>
    %mul3A_10 = arith.mulf %mul3A_3, %mul3A_3 : vector<1x256xf32>
    %sub3A = arith.subf %mul3A_9, %mul3A_10 : vector<1x256xf32>
    %get3A_11 = arith.constant 0 : index
    %get3A_12 = arith.constant 0 : index
    %get3A_13 = vector.load %arg5[%get3A_11, %get3A_12] : memref<1x256xf32, #tpu.memory_space<vmem>>, vector<1x256xf32>
    %add3A = arith.constant 9.99999974E-6 : f32
    %add3A_14 = vector.broadcast %add3A : f32 to vector<1x256xf32>
    %add3A_15 = arith.addf %sub3A, %add3A_14 : vector<1x256xf32>
    %rsqrt3A = math.rsqrt %add3A_15 : vector<1x256xf32>
    %mul3A_16 = arith.mulf %get3A_13, %rsqrt3A : vector<1x256xf32>
    %get3A_17 = arith.constant 0 : index
    %get3A_18 = arith.constant 0 : index
    %get3A_19 = vector.load %arg6[%get3A_17, %get3A_18] : memref<1x256xf32, #tpu.memory_space<vmem>>, vector<1x256xf32>
    %mul3A_20 = arith.mulf %mul3A_3, %mul3A_16 : vector<1x256xf32>
    %sub3A_21 = arith.subf %get3A_19, %mul3A_20 : vector<1x256xf32>
    %get3A_22 = arith.constant 0 : index
    %get3A_23 = arith.constant 0 : index
    %get3A_24 = vector.load %arg1[%get3A_22, %get3A_23] : memref<1024x256xf32, #tpu.memory_space<vmem>>, vector<1024x256xf32>
    %mul3A_25 = vector.broadcast %mul3A_16 : vector<1x256xf32> to vector<1024x256xf32>
    %mul3A_26 = arith.mulf %get3A_24, %mul3A_25 : vector<1024x256xf32>
    %add3A_27 = vector.broadcast %sub3A_21 : vector<1x256xf32> to vector<1024x256xf32>
    %add3A_28 = arith.addf %mul3A_26, %add3A_27 : vector<1024x256xf32>
    %get3A_29 = arith.constant 0 : index
    %get3A_30 = arith.constant 0 : index
    %get3A_31 = vector.load %arg3[%get3A_29, %get3A_30] : memref<1x256xf32, #tpu.memory_space<vmem>>, vector<1x256xf32>
    %mul3A_32 = vector.broadcast %get3A_31 : vector<1x256xf32> to vector<1024x256xf32>
    %mul3A_33 = arith.mulf %add3A_28, %mul3A_32 : vector<1024x256xf32>
    %reduce_sum3A = arith.constant dense<0.000000e+00> : vector<1024xf32>
    %reduce_sum3A_34 = vector.multi_reduction <add>, %mul3A_33, %reduce_sum3A [1] : vector<1024x256xf32> to vector<1024xf32>
    %broadcast_in_dim3A = vector.shape_cast %reduce_sum3A_34 : vector<1024xf32> to vector<1024x1xf32>
    %get3A_35 = arith.constant 0 : index
    %get3A_36 = arith.constant 0 : index
    %get3A_37 = vector.load %arg4[%get3A_35, %get3A_36] : memref<1x1xf32, #tpu.memory_space<vmem>>, vector<1x1xf32>
    %add3A_38 = vector.broadcast %get3A_37 : vector<1x1xf32> to vector<1024x1xf32>
    %add3A_39 = arith.addf %broadcast_in_dim3A, %add3A_38 : vector<1024x1xf32>
    %neg3A = arith.constant 0.000000e+00 : f32
    %neg3A_40 = vector.broadcast %neg3A : f32 to vector<1024x1xf32>
    %neg3A_41 = arith.subf %neg3A_40, %add3A_39 : vector<1024x1xf32>
    %exp3A = math.exp %neg3A_41 : vector<1024x1xf32>
    %add3A_42 = arith.constant 1.000000e+00 : f32
    %add3A_43 = vector.broadcast %add3A_42 : f32 to vector<1024x1xf32>
    %add3A_44 = arith.addf %add3A_43, %exp3A : vector<1024x1xf32>
    %div3A = arith.constant 1.000000e+00 : f32
    %div3A_45 = vector.broadcast %div3A : f32 to vector<1024x1xf32>
    %div3A_46 = arith.divf %div3A_45, %add3A_44 : vector<1024x1xf32>
    %swap3A = arith.constant 0 : index
    %swap3A_47 = arith.constant 0 : index
    %swap3A_48 = vector.load %arg7[%swap3A, %swap3A_47] : memref<1024x1xf32, #tpu.memory_space<vmem>>, vector<1024x1xf32>
    tpu.vector_store %arg7[%swap3A, %swap3A_47], %div3A_46 {strides = array<i32>} : memref<1024x1xf32, #tpu.memory_space<vmem>>, vector<1024x1xf32>,
    return
  }
  func.func @transform_0(%arg0: i32) -> (i32, i32) {
    %c0_i32 = arith.constant 0 : i32
    %c0_i32_0 = arith.constant 0 : i32
    return %arg0, %c0_i32 : i32, i32
  }
  func.func @transform_1(%arg0: i32) -> (i32, i32) {
    %c0_i32 = arith.constant 0 : i32
    %c0_i32_0 = arith.constant 0 : i32
    %c0_i32_1 = arith.constant 0 : i32
    return %c0_i32, %c0_i32_0 : i32, i32
  }
  func.func @transform_2(%arg0: i32) -> (i32, i32) {
    %c0_i32 = arith.constant 0 : i32
    %c0_i32_0 = arith.constant 0 : i32
    %c0_i32_1 = arith.constant 0 : i32
    return %c0_i32, %c0_i32_0 : i32, i32
  }
  func.func @transform_3(%arg0: i32) -> (i32, i32) {
    %c0_i32 = arith.constant 0 : i32
    %c0_i32_0 = arith.constant 0 : i32
    %c0_i32_1 = arith.constant 0 : i32
    return %c0_i32, %c0_i32_0 : i32, i32
  }
  func.func @transform_4(%arg0: i32) -> (i32, i32) {
    %c0_i32 = arith.constant 0 : i32
    %c0_i32_0 = arith.constant 0 : i32
    %c0_i32_1 = arith.constant 0 : i32
    return %c0_i32, %c0_i32_0 : i32, i32
  }
  func.func @transform_5(%arg0: i32) -> (i32, i32) {
    %c0_i32 = arith.constant 0 : i32
    %c0_i32_0 = arith.constant 0 : i32
    %c0_i32_1 = arith.constant 0 : i32
    return %c0_i32, %c0_i32_0 : i32, i32
  }
  func.func @transform_6(%arg0: i32) -> (i32, i32) {
    %c0_i32 = arith.constant 0 : i32
    %c0_i32_0 = arith.constant 0 : i32
    return %arg0, %c0_i32 : i32, i32
  }
}

</mosaic_0001>

<sc_bundles>
// kernel: kernel.7.cloned.1.call-start
scs
__scs_entry_jumppad:
0x0: {  	(pc) =	sbr.rel $0x88, $3  }
0x1: {  	(tag) =	ssettag $0x0;
	lr =	simm.s32 $0x1  }
0x2: {  	[smem:$0x3F92] =	sst lr;
	_ =	strace $0xD0000000  }
0x3: {  	_ = 	snop  }
0x4: {  	_ = 	snop  }
0x5: {  	_ = 	snop  }
0x6: {  	_ = 	snop  }
0x7: {  	_ = 	snop  }
__scs_overlays_trampoline_lowered:
0x8: {  	[smem:$0x3FA1] =	sst s0  }
0x9: {  	[smem:$0x3FA2] =	sst s1  }
0xa: {  	[smem:$0x3FA3] =	sst s2  }
0xb: {  	[smem:$0x3FA4] =	sst s3  }
0xc: {  	[smem:$0x3FA5] =	sst s4  }
0xd: {  	[smem:$0x3FA6] =	sst s5  }
0xe: {  	[smem:$0x3FA7] =	sst s6  }
0xf: {  	[smem:$0x3FA8] =	sst s7  }
0x10: {  	[smem:$0x3FA9] =	sst s8  }
0x11: {  	[smem:$0x3FAA] =	sst s9;
	s0 =	simm.s32 @!p0 $0x0  }
0x12: {  	s1 =	sld [smem:$0x3F90];
	s0 =	simm.s32 @p0 $0x1  }
0x13: {  	[smem:$0x3FAB] =	sst s0;
	s0 =	simm.s32 @!p1 $0x0  }
0x14: {  	s2 =	sld [smem:$0x3F8F];
	s0 =	simm.s32 @p1 $0x1  }
0x15: {  	[smem:$0x3FAC] =	sst s0;
	s0 =	simm.s32 @!p2 $0x0  }
0x16: {  	s3 =	sld [smem:$0x3FDB];
	s0 =	simm.s32 @p2 $0x1  }
0x17: {  	s4 =	simm.s32 $0x1BF5;
	[smem:$0x3FAE] =	sst s0  }
0x18: {  	s0 =	sld [smem:$0x3F91];
	_ =	swait.ge [sflag:s4], $0x0  }
0x19: {  	s7 =	sld [smem:$0x3F92]  }
0x1a: {  	s8 =	sadd.s32 $0xFFFFE003, lr  }
0x1b: {  	s9 =	sadd.s32 $0xFFFFFEF7, lr;
	s5 =	simm.s32 $0xFFFFFFFF;
	p2 =	slt.u32 s8, $0xFFFFF086  }
0x1c: {  	p1 =	slt.u32 s9, $0xF7A;
	s5 =	simm.s32 @!p2 $0x0  }
0x1d: {  	s5 =	simm.s32 @p1 $0x1;
	p0 =	seq.s32 s7, s2  }
0x1e: {  	s7 =	smul.u32 @!p0 $0xF7A, s2;
	p2 =	seq.s32 @!p0 s5, $0x0  }
0x1f: {  	s9 =	smul.u32 $0xF7A, s1;
	s8 =	simm.s32 @!p0 $0x1BF5;
	p2 =	por !p2, p0  }
0x20: {  	[sflag:s8] =	ssyncset.s32 @!p0 $0xFFFFF086;
	s6 =	sadd.s32 @!p0 s3, s7;
	s7 =	simm.s32 @!p0 $0x108  }
0x21: {  	s3 =	sadd.s32 s3, s9;
	s6 =	sadd.s32 @!p0 $0x88, s6;
	s7 =	simm.s32 @p2 $0x1082  }
0x22: {  	[simem:s7], [sflag:s8] =	dma.local @!p0 [hbm:s6], $0xF7A  }
0x23: {  	s9 =	sor.u32 $0xD0000000, s2;
	s6 =	simm.s32 $0x108;
	_ =	swait.ge @!p0 [sflag:s8], $0x0  }
0x24: {  	s3 =	sadd.s32 $0x88, s3;
	s6 =	simm.s32 @!p1 $0x1082;
	[sflag:s4] =	ssyncset.s32 $0xFFFFF086  }
0x25: {  	[simem:s6], [sflag:s4] =	dma.local [hbm:s3], $0xF7A  }
0x26: {  	[smem:$0x3F92] =	sst s1;
	(tag) =	ssettag s2;
	_ =	strace s9  }
0x27: {  	s1 =	sld [smem:$0x3FA2]  }
0x28: {  	s2 =	sld [smem:$0x3FA3]  }
0x29: {  	s4 =	sld [smem:$0x3FA5]  }
0x2a: {  	p0 =	seq.s32 s5, $0x0;
	s5 =	sld [smem:$0x3FA6]  }
0x2b: {  	s6 =	sld [smem:$0x3FA7]  }
0x2c: {  	s7 =	sld [smem:$0x3FA8]  }
0x2d: {  	s3 =	simm.s32 $0x108;
	s8 =	sld [smem:$0x3FA9]  }
0x2e: {  	s3 =	simm.s32 @!p0 $0x1082;
	s9 =	sld [smem:$0x3FAA]  }
0x2f: {  	lr =	sadd.s32 s0, s3;
	s0 =	sld [smem:$0x3FA1]  }
0x30: {  	s3 =	sld [smem:$0x3FA4]  }
0x31: {  	[smem:$0x3FAD] =	sst s10  }
0x32: {  	s10 =	sld [smem:$0x3FAB];
	_ =	sdelay $0x3  }
0x33: {  	p0 =	seq.s32 s10, $0x1;
	s10 =	sld [smem:$0x3FAD];
	_ =	sdelay $0x3  }
0x34: {  	[smem:$0x3FAD] =	sst s10  }
0x35: {  	s10 =	sld [smem:$0x3FAC];
	_ =	sdelay $0x3  }
0x36: {  	p1 =	seq.s32 s10, $0x1;
	s10 =	sld [smem:$0x3FAD];
	_ =	sdelay $0x3  }
0x37: {  	[smem:$0x3FAD] =	sst s10  }
0x38: {  	s10 =	sld [smem:$0x3FAE]  }
0x39: {  	_ = 	snop;
	(pc) =	sbr.ind lr, $3  }
0x3a: {  	_ = 	snop  }
0x3b: {  	_ = 	snop  }
0x3c: {  	p2 =	seq.s32 s10, $0x1;
	s10 =	sld [smem:$0x3FAD]  }
0x3d: {  	_ =	shalt  }
0x3e: {  	_ =	shalt  }
0x3f: {  	_ =	shalt  }
0x40: {  	_ =	shalt  }
0x41: {  	_ =	shalt  }
0x42: {  	_ =	shalt  }
0x43: {  	_ =	shalt  }
0x44: {  	_ =	shalt  }
0x45: {  	_ =	shalt  }
0x46: {  	_ =	shalt  }
0x47: {  	_ =	shalt  }
0x48: {  	_ =	shalt  }
0x49: {  	_ =	shalt  }
0x4a: {  	_ =	shalt  }
0x4b: {  	_ =	shalt  }
0x4c: {  	_ =	shalt  }
0x4d: {  	_ =	shalt  }
0x4e: {  	_ =	shalt  }
0x4f: {  	_ =	shalt  }
0x50: {  	_ =	shalt  }
0x51: {  	_ =	shalt  }
0x52: {  	_ =	shalt  }
0x53: {  	_ =	shalt  }
0x54: {  	_ =	shalt  }
0x55: {  	_ =	shalt  }
0x56: {  	_ =	shalt  }
0x57: {  	_ =	shalt  }
0x58: {  	_ =	shalt  }
0x59: {  	_ =	shalt  }
0x5a: {  	_ =	shalt  }
0x5b: {  	_ =	shalt  }
0x5c: {  	_ =	shalt  }
0x5d: {  	_ =	shalt  }
0x5e: {  	_ =	shalt  }
0x5f: {  	_ =	shalt  }
0x60: {  	_ =	shalt  }
0x61: {  	_ =	shalt  }
0x62: {  	_ =	shalt  }
0x63: {  	_ =	shalt  }
0x64: {  	_ =	shalt  }
0x65: {  	_ =	shalt  }
0x66: {  	_ =	shalt  }
0x67: {  	_ =	shalt  }
0x68: {  	_ =	shalt  }
0x69: {  	_ =	shalt  }
0x6a: {  	_ =	shalt  }
0x6b: {  	_ =	shalt  }
0x6c: {  	_ =	shalt  }
0x6d: {  	_ =	shalt  }
0x6e: {  	_ =	shalt  }
0x6f: {  	_ =	shalt  }
0x70: {  	_ =	shalt  }
0x71: {  	_ =	shalt  }
0x72: {  	_ =	shalt  }
0x73: {  	_ =	shalt  }
0x74: {  	_ =	shalt  }
0x75: {  	_ =	shalt  }
0x76: {  	_ =	shalt  }
0x77: {  	_ =	shalt  }
0x78: {  	_ =	shalt  }
0x79: {  	_ =	shalt  }
0x7a: {  	_ =	shalt  }
0x7b: {  	_ =	shalt  }
0x7c: {  	_ =	shalt  }
0x7d: {  	_ =	shalt  }
0x7e: {  	_ =	shalt  }
0x7f: {  	_ =	shalt  }
0x80: {  	_ =	shalt  }
0x81: {  	_ =	shalt  }
0x82: {  	_ =	shalt  }
0x83: {  	_ =	shalt  }
0x84: {  	_ =	shalt  }
0x85: {  	_ =	shalt  }
0x86: {  	_ =	shalt  }
0x87: {  	_ =	shalt  }
.Lfunc_end0:
.L_simem_size_0:
called_computation_lowered:
.L_overlay_start_0:
0x88: {  	s2 =	sld [smem:$0x3FD9]  }
0x89: {  	s3 =	sld [smem:$0x3FFE];
	_ =	sdelay $0x1  }
0x8a: {  	s1 =	srdreg.scid  }
0x8b: {  	s0 =	sand.u32 $0x1, s1  }
0x8c: {  	s16 =	sshll.u32 s0, $0xA;
	s2 =	sadd.s32 s3, s2  }
0x8d: {  	s2 =	sadd.s32 s2, s16  }
0x8e: {  	[smem:$0x3FB9] =	sst s2  }
0x8f: {  	_ = 	snop  }
0x90: {  	(tm) =	ssettm $0x1  }
0x91: {  	s17 =	sld [smem:$0x3FFB];
	_ =	sdelay $0x3  }
0x92: {  	_ =	strace s17  }
0x93: {  	s2 =	sld [smem:$0x3FFC];
	_ =	sdelay $0x3  }
0x94: {  	_ =	strace s2  }
0x95: {  	s2 =	sld [smem:$0x3FFD];
	_ =	sdelay $0x3  }
0x96: {  	_ =	strace s2  }
0x97: {  	_ =	strace $0x8FFFFFFF  }
0x98: {  	s18 =	sld [smem:$0x3FDB];
	_ =	sdelay $0x1  }
0x99: {  	s19 =	simm.s32 $_scs_section_size  }
0x9a: {  	s4 =	simm.s32 $_size__tile_overlayer_lowered;
	s5 =	simm.s32 $_tile_overlayer_lowered  }
0x9b: {  	s22 =	simm.s32 $0x1BFF;
	s21 =	sshll.u32 s5, $0x1;
	s2 =	sadd.s32 s19, s18  }
0x9c: {  	s6 =	simm.s32 $0x0;
	s20 =	sshll.u32 s4, $0x1;
	s4 =	sadd.s32 s21, s2  }
0x9d: {  	[timem:s6], [sflag:s22] =	dma.local [hbm:s4], s20  }
0x9e: {  	_ =	swait.ge [sflag:s22], s20  }
0x9f: {  	s3 =	ssub.s32 $0x0, s20;
	[sflag:s22] =	ssyncset.done $0x0  }
0xa0: {  	[sflag:s22] =	ssyncadd.s32 s3;
	_ =	sdelay $0x1  }
0xa1: {  	s23 =	simm.s32 $0x1B8B  }
0xa2: {  	_ =	swait.ge [sflag:s23], $0x1  }
0xa3: {  	[sflag:s23] =	ssyncset.done $0x0  }
0xa4: {  	s25 =	simm.s32 $0x1B8E;
	s24 =	sld [smem:$0x3FFE];
	[sflag:s23] =	ssyncadd.s32 $0xFFFFFFFF  }
0xa5: {  	s26 =	simm.s32 $execute0_lowered;
	[smem:$0x3FD2] =	sst s25  }
0xa6: {  	s4 =	sshll.u32 s26, $0x1;
	_ =	strace $0x80000046;
	[dreg:$0x1] =	wrdreg $0xFFFFFFFF  }
0xa7: {  	s28 =	simm.s32 $_size_execute0_lowered;
	s2 =	sadd.s32 s2, s4;
	[dreg:$0x0] =	wrdreg $0x0  }
0xa8: {  	s4 =	sshll.u32 s28, $0x1;
	[dreg:$0x2] =	wrdreg s2  }
0xa9: {  	[dreg:$0x3] =	wrdreg s4  }
0xaa: {  	[dreg:$0x4] =	wrdreg $0xC0  }
0xab: {  	_ =	task [dreg:s6], $0x5FFFF  }
0xac: {  	[dreg:$0x1] =	wrdreg $0xFFFFFFFF  }
0xad: {  	[dreg:$0x0] =	wrdreg $0x60  }
0xae: {  	[dreg:$0x2] =	wrdreg s24  }
0xaf: {  	[dreg:$0x3] =	wrdreg $0x9  }
0xb0: {  	_ =	task.clear_ibuf [dreg:s6], $0x4FFFF;
	_ =	strace $0x90000046  }
0xb1: {  	s29 =	simm.s32 $0x9;
	_ =	strace $0x80000048  }
0xb2: {  	_ =	swait.ge [sflag:s29], $0x1  }
0xb3: {  	[sflag:s29] =	ssyncadd.s32 $0xFFFFFFFF  }
0xb4: {  	_ =	strace $0x90000048  }
0xb5: {  	_ =	sfence  }
0xb6: {  	s30 =	sld [smem:$0x0];
	_ =	sdelay $0x2  }
0xb7: {  	s31 =	sshll.u32 s1, $0xD;
	s1 =	sshrl.u32 s1, $0x2  }
0xb8: {  	s3 =	sand.u32 $0x4000, s31;
	s1 =	sadd.s32 s1, s30  }
0xb9: {  	s0 =	sor.u32 s3, s0;
	s1 =	sshll.u32 s1, $0x11  }
0xba: {  	s0 =	sor.u32 s1, s0  }
0xbb: {  	s0 =	sadd.s32 $0x8F2B, s0  }
0xbc: {  	[sflag:s0] =	ssyncadd.remote.s32 $0x1  }
0xbd: {  	_ =	sfence.sel $0xFFFF  }
0xbe: {  	[dreg:$0x0] =	wrdreg $0xFFFFFFFF;
	(pc) =	sbr.abs _section_cstart, $3  }
0xbf: {  	[dreg:$0x1] =	wrdreg $0xFFFFFFFF  }
0xc0: {  	_ =	task.clear_ibuf [dreg:s6], $0x2FFFF;
	_ =	strace $0x9FFFFFFF  }
0xc1: {  	(tm) =	ssettm $0x7FFFFFFF  }
tec
execute0_lowered:
.L_overlay_start_1:
0x0: {  	(tag) =	ssettag $0x1  }
0x1: {  	s0 =	srdreg.scid  }
0x2: {  	s2 =	stileid.u32;
	s1 =	rddreg [dreg:$0x0];
	s3 =	simm.s32 $0x0  }
0x3: {  	s0 =	sand.u32 $0x1, s0;
	s2 =	sshll.u32 s2, $0x1;
	[smem:$0x7FF] =	sst s3  }
0x4: {  	s26 =	sadd.s32 $0x29600, s1;
	s2 =	sor.u32 s0, s2;
	s0 =	ssub.s32 $0x2, s0  }
0x5: {  	_ =	strace $0x80000047;
	s4 =	smul.u32 $0x680, s2;
	s5 =	sshrl.u32 s0, $0x1  }
0x6: {  	[dreg:$0x2] =	wrdreg s26;
	s28 =	sshll.u32 s2, $0x9;
	s0 =	ssub.s32 s0, s5  }
0x7: {  	[dreg:$0x4] =	wrdreg s28;
	s4 =	sadd.s32 s4, s1;
	s1 =	sadd.s32 $0xA51600, s1  }
0x8: {  	s0 =	smax.u32 s0, $0x1;
	[dreg:$0x3] =	wrdreg s1  }
0x9: {  	s29 =	sadd.s32 $0xF600, s4;
	[dreg:$0x8] =	wrdreg s0  }
0xa: {  	s30 =	sadd.s32 $0x1C600, s4;
	[dreg:$0x5] =	wrdreg s29  }
0xb: {  	s31 =	sadd.s32 $0x2600, s4;
	[dreg:$0x6] =	wrdreg s30  }
0xc: {  	s13 =	simm.s32 $0x16C00;
	v0 =	vlaneseq.u32;
	v1 =	vimm.f32 $0.0e+00;
	s1 =	simm.s32 $0x0;
	[dreg:$0x7] =	wrdreg s31  }
.LBB2_1:
0xd: {  	[dreg:$0x9] =	wrdreg s1  }
0xe: {  	s26 =	simm.s32 $0x0;
	s0 =	rddreg [dreg:$0x5];
	s2 =	simm.s32 $0x3  }
0xf: {  	[tilespmem:s26], [sflag:$0x3] =	stream.linear.gather [hbm4b:s0+s26], $0x3400, $0x38;
	[tilespmem:$0x18800] =	vst v63  }
0x10: {  	_ =	swait.ge [sflag:s2], $0x3400  }
0x11: {  	[sflag:s2] =	ssyncset.done $0x0  }
0x12: {  	s3 =	simm.s32 $0x3400;
	s28 =	rddreg [dreg:$0x6];
	[sflag:s2] =	ssyncadd.s32 $0xFFFFCC00  }
0x13: {  	[tilespmem:s3], [sflag:$0x3] =	stream.linear.gather [hbm4b:s28+s26], $0x3400, $0x38;
	[tilespmem:$0x18800] =	vst v63  }
0x14: {  	s31 =	simm.s32 $0x0;
	_ =	swait.ge [sflag:s2], $0x3400  }
0x15: {  	s30 =	simm.s32 $0x6800;
	s0 =	smul.u32 $0x380, s31;
	[sflag:s2] =	ssyncset.done $0x0  }
0x16: {  	s1 =	sand.u32 $0x30, s26;
	s29 =	rddreg [dreg:$0x7];
	[sflag:s2] =	ssyncadd.s32 $0xFFFFCC00  }
0x17: {  	[tilespmem:s30], [sflag:$0x3] =	stream.linear.gather [hbm4b:s29+s26], $0x3400, $0x38;
	[tilespmem:$0x18800] =	vst v63  }
0x18: {  	s0 =	sor.u32 s1, s0;
	_ =	swait.ge [sflag:s2], $0x3400  }
0x19: {  	s1 =	sadd.s32 $0x340, s0;
	[sflag:s2] =	ssyncset.done $0x0  }
0x1a: {  	s0 =	simm.s32 $0x1;
	v2 =	vor.u32 s1, v0;
	s1 =	simm.s32 $0x0;
	[sflag:s2] =	ssyncadd.s32 $0xFFFFCC00  }
.LBB2_2:
0x1b: {  	s2 =	sshrl.u32 s0, $0x2  }
0x1c: {  	p0 =	sne.s32 s0, $0x1F;
	s0 =	sadd.s32 $0x1, s0;
	s2 =	smul.u32 $0x380, s2  }
.Ltmp0:
0x1d: {  	s1 =	sadd.s32 $0x10, s1;
	(pc) =	sbr.rel @p0 .LBB2_2-.Ltmp0, $4  }
0x1e: {  	s4 =	sand.u32 $0x30, s1  }
0x1f: {  	s2 =	sor.u32 s4, s2  }
0x20: {  	s2 =	sadd.s32 $0x340, s2;
	[tilespmem:v2+s13+$0x0] =	vst.idx.msk $0xffff, v1  }
0x21: {  	v2 =	vor.u32 s2, v0  }
0x22: {  	_ =	sdelay $0x1  }
0x23: {  	s20 =	simm.s32 $0x0;
	s0 =	rddreg [dreg:$0x2]  }
0x24: {  	s1 =	simm.s32 $0xD0;
	s2 =	simm.s32 $0x9C00;
	s28 =	simm.s32 $0x3400  }
0x25: {  	[tilespmem:v2+s13+$0x0] =	vst.idx.msk $0xffff, v1;
	s22 =	simm.s32 $0x6800;
	s23 =	simm.s32 $0x34D0;
	s24 =	simm.s32 $0x68D0  }
0x26: {  	[tilespmem:s2], [sflag:$0x1] =	stream.indirect.gather [hbm4b:s0+s1], $0x80, s20, s1, $0xb8;
	[tilespmem:$0x18800] =	vst v63  }
.LBB2_4:
0x27: {  	s0 =	sshllo.u32 s20, $0x1;
	s1 =	rddreg [dreg:$0x2]  }
0x28: {  	[dreg:$0xb] =	wrdreg s0;
	s0 =	smul.u32 $0xD0, s0  }
0x29: {  	s2 =	simm.s32 $0xD0;
	s3 =	simm.s32 $0x10400;
	s6 =	simm.s32 $0x1  }
0x2a: {  	[tilespmem:s3], [sflag:$0x2] =	stream.indirect.gather [hbm4b:s1+s2], $0x80, s0, s2, $0xb8;
	[tilespmem:$0x18800] =	vst v63  }
0x2b: {  	_ =	swait.ge [sflag:s6], $0x6800  }
0x2c: {  	[sflag:s6] =	ssyncset.done $0x0  }
0x2d: {  	[sflag:s6] =	ssyncadd.s32 $0xFFFF9800  }
0x2e: {  	v3 =	vld [tilespmem:s28+$0x0];
	_ =	sdelay $0x4  }
0x2f: {  	(v2sf) =	vpush v3, $0x0;
	_ =	sdelay $0x4  }
0x30: {  	v2 =	vld [tilespmem:s22+$0x0];
	_ =	sdelay $0x2  }
0x31: {  	(v2sf) =	vpush v3, $0x1  }
0x32: {  	(v2sf) =	vpush v3, $0x2  }
0x33: {  	(v2sf) =	vpush v2, $0x0;
	_ =	sdelay $0x4  }
0x34: {  	s7 =	spop (v2sf)  }
0x35: {  	s8 =	sand.u32 $0x7F, s7;
	s9 =	sshll.u32 s7, $0x2  }
0x36: {  	s2 =	sand.u32 $0xFFFFFE00, s9;
	s1 =	sshll.u32 s8, $0x2  }
0x37: {  	s1 =	sor.u32 s1, s2  }
0x38: {  	s1 =	sshra.s32 s1, $0x2  }
0x39: {  	(v2sf) =	vpush v3, $0x3;
	s1 =	sadd.s32 $0x0, s1  }
0x3a: {  	(v2sf) =	vpush v3, $0x4;
	s0 =	sadd.s32 $0x10, s7;
	v4 =	vld [tilespmem:s1+$0x9C00]  }
0x3b: {  	(v2sf) =	vpush v2, $0x1;
	s10 =	sand.u32 $0x7F, s0;
	s0 =	sshll.u32 s0, $0x2  }
0x3c: {  	s11 =	spop (v2sf);
	s0 =	sand.u32 $0xFFFFFE00, s0;
	s1 =	sshll.u32 s10, $0x2  }
0x3d: {  	s12 =	spop (v2sf);
	s0 =	sor.u32 s1, s0  }
0x3e: {  	s4 =	spop (v2sf);
	s0 =	sshra.s32 s0, $0x2  }
0x3f: {  	s0 =	sadd.s32 $0x0, s0;
	[tilespmem:s4+$0x16C00] =	vst v4  }
0x40: {  	v4 =	vld [tilespmem:s0+$0x9C00]  }
0x41: {  	s14 =	sand.u32 $0x7F, s11;
	s5 =	sshll.u32 s11, $0x2  }
0x42: {  	s5 =	sand.u32 $0xFFFFFE00, s5;
	s0 =	sshll.u32 s14, $0x2  }
0x43: {  	s0 =	sor.u32 s0, s5  }
0x44: {  	s0 =	sshra.s32 s0, $0x2  }
0x45: {  	(v2sf) =	vpush v3, $0x5;
	s0 =	sadd.s32 $0x0, s0;
	[tilespmem:s4+$0x16C10] =	vst v4  }
0x46: {  	(v2sf) =	vpush v3, $0x6;
	s2 =	sadd.s32 $0x10, s11;
	v4 =	vld [tilespmem:s0+$0x9C80]  }
0x47: {  	(v2sf) =	vpush v2, $0x2;
	s15 =	sand.u32 $0x7F, s2;
	s2 =	sshll.u32 s2, $0x2  }
0x48: {  	s16 =	spop (v2sf);
	s2 =	sand.u32 $0xFFFFFE00, s2;
	s0 =	sshll.u32 s15, $0x2  }
0x49: {  	s17 =	spop (v2sf);
	s0 =	sor.u32 s0, s2  }
0x4a: {  	s18 =	spop (v2sf);
	s0 =	sshra.s32 s0, $0x2  }
0x4b: {  	s0 =	sadd.s32 $0x0, s0;
	[tilespmem:s18+$0x16C00] =	vst v4  }
0x4c: {  	v4 =	vld [tilespmem:s0+$0x9C80]  }
0x4d: {  	s19 =	sand.u32 $0x7F, s12;
	s6 =	sshll.u32 s12, $0x2  }
0x4e: {  	s6 =	sand.u32 $0xFFFFFE00, s6;
	s0 =	sshll.u32 s19, $0x2  }
0x4f: {  	s0 =	sor.u32 s0, s6  }
0x50: {  	s0 =	sshra.s32 s0, $0x2  }
0x51: {  	(v2sf) =	vpush v3, $0x7;
	s0 =	sadd.s32 $0x0, s0;
	[tilespmem:s18+$0x16C10] =	vst v4  }
0x52: {  	(v2sf) =	vpush v3, $0x8;
	s1 =	sadd.s32 $0x10, s12;
	v4 =	vld [tilespmem:s0+$0x9D00]  }
0x53: {  	(v2sf) =	vpush v2, $0x3;
	s21 =	sand.u32 $0x7F, s1;
	s1 =	sshll.u32 s1, $0x2  }
0x54: {  	s25 =	sand.u32 $0xFFFFFE00, s1;
	s26 =	spop (v2sf);
	s0 =	sshll.u32 s21, $0x2  }
0x55: {  	s30 =	spop (v2sf);
	s5 =	sor.u32 s0, s25  }
0x56: {  	s31 =	spop (v2sf);
	s5 =	sshra.s32 s5, $0x2  }
0x57: {  	s5 =	sadd.s32 $0x0, s5;
	[tilespmem:s31+$0x16C00] =	vst v4  }
0x58: {  	v4 =	vld [tilespmem:s5+$0x9D00]  }
0x59: {  	s3 =	sand.u32 $0x7F, s16;
	s7 =	sshll.u32 s16, $0x2  }
0x5a: {  	s7 =	sand.u32 $0xFFFFFE00, s7;
	s5 =	sshll.u32 s3, $0x2  }
0x5b: {  	s5 =	sor.u32 s5, s7  }
0x5c: {  	s5 =	sshra.s32 s5, $0x2  }
0x5d: {  	(v2sf) =	vpush v3, $0x9;
	s5 =	sadd.s32 $0x0, s5;
	[tilespmem:s31+$0x16C10] =	vst v4  }
0x5e: {  	s4 =	sadd.s32 $0x10, s16;
	(v2sf) =	vpush v3, $0xA;
	v4 =	vld [tilespmem:s5+$0x9D80]  }
0x5f: {  	(v2sf) =	vpush v2, $0x4;
	s7 =	sand.u32 $0x7F, s4;
	s4 =	sshll.u32 s4, $0x2  }
0x60: {  	s9 =	spop (v2sf);
	s4 =	sand.u32 $0xFFFFFE00, s4;
	s5 =	sshll.u32 s7, $0x2  }
0x61: {  	s7 =	spop (v2sf);
	s4 =	sor.u32 s5, s4  }
0x62: {  	s8 =	spop (v2sf);
	s4 =	sshra.s32 s4, $0x2  }
0x63: {  	s4 =	sadd.s32 $0x0, s4;
	[tilespmem:s8+$0x16C00] =	vst v4  }
0x64: {  	v4 =	vld [tilespmem:s4+$0x9D80]  }
0x65: {  	s10 =	sand.u32 $0x7F, s17;
	s11 =	sshll.u32 s17, $0x2  }
0x66: {  	s6 =	sand.u32 $0xFFFFFE00, s11;
	s4 =	sshll.u32 s10, $0x2  }
0x67: {  	s4 =	sor.u32 s4, s6  }
0x68: {  	(v2sf) =	vpush v3, $0xB;
	s4 =	sshra.s32 s4, $0x2  }
0x69: {  	(v2sf) =	vpush v3, $0xC;
	s4 =	sadd.s32 $0x0, s4;
	[tilespmem:s8+$0x16C10] =	vst v4  }
0x6a: {  	s2 =	sadd.s32 $0x10, s17;
	(v2sf) =	vpush v3, $0xD;
	v4 =	vld [tilespmem:s4+$0x9E00]  }
0x6b: {  	s12 =	sand.u32 $0x7F, s2;
	s2 =	sshll.u32 s2, $0x2;
	(v2sf) =	vpush v2, $0x5  }
0x6c: {  	s2 =	sand.u32 $0xFFFFFE00, s2;
	s8 =	spop (v2sf);
	s4 =	sshll.u32 s12, $0x2  }
0x6d: {  	s6 =	spop (v2sf);
	s2 =	sor.u32 s4, s2  }
0x6e: {  	s14 =	spop (v2sf);
	s2 =	sshra.s32 s2, $0x2  }
0x6f: {  	s2 =	sadd.s32 $0x0, s2;
	[tilespmem:s14+$0x16C00] =	vst v4  }
0x70: {  	v4 =	vld [tilespmem:s2+$0x9E00]  }
0x71: {  	s16 =	sshll.u32 s26, $0x2;
	s15 =	sand.u32 $0x7F, s26  }
0x72: {  	s5 =	sand.u32 $0xFFFFFE00, s16;
	s2 =	sshll.u32 s15, $0x2  }
0x73: {  	s2 =	sor.u32 s2, s5  }
0x74: {  	s2 =	sshra.s32 s2, $0x2  }
0x75: {  	(v2sf) =	vpush v3, $0xE;
	s2 =	sadd.s32 $0x0, s2;
	[tilespmem:s14+$0x16C10] =	vst v4  }
0x76: {  	s1 =	sadd.s32 $0x10, s26;
	(v2sf) =	vpush v3, $0xF;
	v4 =	vld [tilespmem:s2+$0x9E80]  }
0x77: {  	s17 =	sand.u32 $0x7F, s1;
	s1 =	sshll.u32 s1, $0x2;
	s5 =	spop (v2sf);
	(v2sf) =	vpush v2, $0x6  }
0x78: {  	s1 =	sand.u32 $0xFFFFFE00, s1;
	s4 =	spop (v2sf);
	s2 =	sshll.u32 s17, $0x2  }
0x79: {  	s2 =	sor.u32 s2, s1;
	s1 =	spop (v2sf)  }
0x7a: {  	s2 =	sshra.s32 s2, $0x2;
	s11 =	spop (v2sf)  }
0x7b: {  	s2 =	sadd.s32 $0x0, s2;
	[tilespmem:s11+$0x16C00] =	vst v4  }
0x7c: {  	v3 =	vld [tilespmem:s2+$0x9E80]  }
0x7d: {  	s18 =	sand.u32 $0x7F, s30;
	s12 =	sshll.u32 s30, $0x2  }
0x7e: {  	s12 =	sand.u32 $0xFFFFFE00, s12;
	s2 =	sshll.u32 s18, $0x2  }
0x7f: {  	s2 =	sor.u32 s2, s12  }
0x80: {  	s2 =	sshra.s32 s2, $0x2  }
0x81: {  	s2 =	sadd.s32 $0x0, s2;
	[tilespmem:s11+$0x16C10] =	vst v3  }
0x82: {  	s0 =	sadd.s32 $0x10, s30;
	v3 =	vld [tilespmem:s2+$0x9F00]  }
0x83: {  	s19 =	sand.u32 $0x7F, s0;
	s0 =	sshll.u32 s0, $0x2;
	(v2sf) =	vpush v2, $0x7  }
0x84: {  	s0 =	sand.u32 $0xFFFFFE00, s0;
	s21 =	sshll.u32 s19, $0x2;
	s2 =	spop (v2sf)  }
0x85: {  	s11 =	sor.u32 s21, s0;
	s0 =	spop (v2sf)  }
0x86: {  	s11 =	sshra.s32 s11, $0x2;
	s25 =	spop (v2sf)  }
0x87: {  	s11 =	sadd.s32 $0x0, s11;
	[tilespmem:s25+$0x16C00] =	vst v3  }
0x88: {  	v3 =	vld [tilespmem:s11+$0x9F00]  }
0x89: {  	s26 =	sshll.u32 s9, $0x2;
	s14 =	sand.u32 $0x7F, s9  }
0x8a: {  	s14 =	sshll.u32 s14, $0x2;
	s11 =	sand.u32 $0xFFFFFE00, s26  }
0x8b: {  	s11 =	sor.u32 s14, s11  }
0x8c: {  	s11 =	sshra.s32 s11, $0x2  }
0x8d: {  	s11 =	sadd.s32 $0x0, s11;
	[tilespmem:s25+$0x16C10] =	vst v3  }
0x8e: {  	s9 =	sadd.s32 $0x10, s9;
	v3 =	vld [tilespmem:s11+$0x9F80]  }
0x8f: {  	s30 =	sand.u32 $0x7F, s9;
	s9 =	sshll.u32 s9, $0x2;
	(v2sf) =	vpush v2, $0x8  }
0x90: {  	s9 =	sand.u32 $0xFFFFFE00, s9;
	s11 =	sshll.u32 s30, $0x2  }
0x91: {  	s9 =	sor.u32 s11, s9  }
0x92: {  	s31 =	spop (v2sf);
	s9 =	sshra.s32 s9, $0x2  }
0x93: {  	s9 =	sadd.s32 $0x0, s9;
	[tilespmem:s31+$0x16C00] =	vst v3  }
0x94: {  	v3 =	vld [tilespmem:s9+$0x9F80]  }
0x95: {  	s3 =	sand.u32 $0x7F, s7;
	s10 =	sshll.u32 s7, $0x2  }
0x96: {  	s12 =	sand.u32 $0xFFFFFE00, s10;
	s9 =	sshll.u32 s3, $0x2  }
0x97: {  	s9 =	sor.u32 s9, s12  }
0x98: {  	s9 =	sshra.s32 s9, $0x2  }
0x99: {  	s9 =	sadd.s32 $0x0, s9;
	[tilespmem:s31+$0x16C10] =	vst v3  }
0x9a: {  	s7 =	sadd.s32 $0x10, s7;
	v3 =	vld [tilespmem:s9+$0xA000]  }
0x9b: {  	(v2sf) =	vpush v2, $0x9;
	s14 =	sand.u32 $0x7F, s7;
	s7 =	sshll.u32 s7, $0x2  }
0x9c: {  	s7 =	sand.u32 $0xFFFFFE00, s7;
	s9 =	sshll.u32 s14, $0x2  }
0x9d: {  	s7 =	sor.u32 s9, s7  }
0x9e: {  	s15 =	spop (v2sf);
	s7 =	sshra.s32 s7, $0x2  }
0x9f: {  	s7 =	sadd.s32 $0x0, s7;
	[tilespmem:s15+$0x16C00] =	vst v3  }
0xa0: {  	v3 =	vld [tilespmem:s7+$0xA000]  }
0xa1: {  	s16 =	sand.u32 $0x7F, s8;
	s17 =	sshll.u32 s8, $0x2  }
0xa2: {  	s11 =	sand.u32 $0xFFFFFE00, s17;
	s7 =	sshll.u32 s16, $0x2  }
0xa3: {  	s7 =	sor.u32 s7, s11  }
0xa4: {  	s7 =	sshra.s32 s7, $0x2  }
0xa5: {  	s7 =	sadd.s32 $0x0, s7;
	[tilespmem:s15+$0x16C10] =	vst v3  }
0xa6: {  	s8 =	sadd.s32 $0x10, s8;
	v3 =	vld [tilespmem:s7+$0xA080]  }
0xa7: {  	s18 =	sand.u32 $0x7F, s8;
	s8 =	sshll.u32 s8, $0x2;
	(v2sf) =	vpush v2, $0xA  }
0xa8: {  	s8 =	sand.u32 $0xFFFFFE00, s8;
	s7 =	sshll.u32 s18, $0x2  }
0xa9: {  	s7 =	sor.u32 s7, s8  }
0xaa: {  	s19 =	spop (v2sf);
	s7 =	sshra.s32 s7, $0x2  }
0xab: {  	s7 =	sadd.s32 $0x0, s7;
	[tilespmem:s19+$0x16C00] =	vst v3  }
0xac: {  	v3 =	vld [tilespmem:s7+$0xA080]  }
0xad: {  	s21 =	sand.u32 $0x7F, s6;
	s25 =	sshll.u32 s6, $0x2  }
0xae: {  	s9 =	sand.u32 $0xFFFFFE00, s25;
	s7 =	sshll.u32 s21, $0x2  }
0xaf: {  	s7 =	sor.u32 s7, s9  }
0xb0: {  	s7 =	sshra.s32 s7, $0x2  }
0xb1: {  	s7 =	sadd.s32 $0x0, s7;
	[tilespmem:s19+$0x16C10] =	vst v3  }
0xb2: {  	s6 =	sadd.s32 $0x10, s6;
	v3 =	vld [tilespmem:s7+$0xA100]  }
0xb3: {  	s26 =	sand.u32 $0x7F, s6;
	s6 =	sshll.u32 s6, $0x2;
	(v2sf) =	vpush v2, $0xB  }
0xb4: {  	s6 =	sand.u32 $0xFFFFFE00, s6;
	s7 =	sshll.u32 s26, $0x2  }
0xb5: {  	s6 =	sor.u32 s7, s6  }
0xb6: {  	s30 =	spop (v2sf);
	s6 =	sshra.s32 s6, $0x2  }
0xb7: {  	s6 =	sadd.s32 $0x0, s6;
	[tilespmem:s30+$0x16C00] =	vst v3  }
0xb8: {  	v3 =	vld [tilespmem:s6+$0xA100]  }
0xb9: {  	s3 =	sand.u32 $0x7F, s5;
	s31 =	sshll.u32 s5, $0x2  }
0xba: {  	s8 =	sshll.u32 s3, $0x2;
	s6 =	sand.u32 $0xFFFFFE00, s31  }
0xbb: {  	s6 =	sor.u32 s8, s6  }
0xbc: {  	s6 =	sshra.s32 s6, $0x2  }
0xbd: {  	s6 =	sadd.s32 $0x0, s6;
	[tilespmem:s30+$0x16C10] =	vst v3  }
0xbe: {  	s5 =	sadd.s32 $0x10, s5;
	v3 =	vld [tilespmem:s6+$0xA180]  }
0xbf: {  	(v2sf) =	vpush v2, $0xC;
	s7 =	sand.u32 $0x7F, s5;
	s5 =	sshll.u32 s5, $0x2  }
0xc0: {  	s5 =	sand.u32 $0xFFFFFE00, s5;
	s6 =	sshll.u32 s7, $0x2  }
0xc1: {  	s5 =	sor.u32 s6, s5  }
0xc2: {  	s8 =	spop (v2sf);
	s5 =	sshra.s32 s5, $0x2  }
0xc3: {  	s5 =	sadd.s32 $0x0, s5;
	[tilespmem:s8+$0x16C00] =	vst v3  }
0xc4: {  	v3 =	vld [tilespmem:s5+$0xA180]  }
0xc5: {  	s10 =	sshll.u32 s4, $0x2;
	s9 =	sand.u32 $0x7F, s4  }
0xc6: {  	s7 =	sand.u32 $0xFFFFFE00, s10;
	s5 =	sshll.u32 s9, $0x2  }
0xc7: {  	s5 =	sor.u32 s5, s7  }
0xc8: {  	s5 =	sshra.s32 s5, $0x2  }
0xc9: {  	s5 =	sadd.s32 $0x0, s5;
	[tilespmem:s8+$0x16C10] =	vst v3  }
0xca: {  	s4 =	sadd.s32 $0x10, s4;
	v3 =	vld [tilespmem:s5+$0xA200]  }
0xcb: {  	s11 =	sand.u32 $0x7F, s4;
	s4 =	sshll.u32 s4, $0x2;
	(v2sf) =	vpush v2, $0xD  }
0xcc: {  	s4 =	sand.u32 $0xFFFFFE00, s4;
	s5 =	sshll.u32 s11, $0x2  }
0xcd: {  	s4 =	sor.u32 s5, s4  }
0xce: {  	s12 =	spop (v2sf);
	s4 =	sshra.s32 s4, $0x2  }
0xcf: {  	s4 =	sadd.s32 $0x0, s4;
	[tilespmem:s12+$0x16C00] =	vst v3  }
0xd0: {  	v3 =	vld [tilespmem:s4+$0xA200]  }
0xd1: {  	s14 =	sand.u32 $0x7F, s1;
	s15 =	sshll.u32 s1, $0x2  }
0xd2: {  	s6 =	sand.u32 $0xFFFFFE00, s15;
	s4 =	sshll.u32 s14, $0x2  }
0xd3: {  	s4 =	sor.u32 s4, s6  }
0xd4: {  	s4 =	sshra.s32 s4, $0x2  }
0xd5: {  	s4 =	sadd.s32 $0x0, s4;
	[tilespmem:s12+$0x16C10] =	vst v3  }
0xd6: {  	s1 =	sadd.s32 $0x10, s1;
	v3 =	vld [tilespmem:s4+$0xA280]  }
0xd7: {  	s16 =	sand.u32 $0x7F, s1;
	s1 =	sshll.u32 s1, $0x2;
	(v2sf) =	vpush v2, $0xE  }
0xd8: {  	s1 =	sand.u32 $0xFFFFFE00, s1;
	s4 =	sshll.u32 s16, $0x2  }
0xd9: {  	s1 =	sor.u32 s4, s1  }
0xda: {  	s17 =	spop (v2sf);
	s1 =	sshra.s32 s1, $0x2  }
0xdb: {  	s1 =	sadd.s32 $0x0, s1;
	[tilespmem:s17+$0x16C00] =	vst v3  }
0xdc: {  	v3 =	vld [tilespmem:s1+$0xA280]  }
0xdd: {  	s18 =	sand.u32 $0x7F, s2;
	s19 =	sshll.u32 s2, $0x2  }
0xde: {  	s5 =	sand.u32 $0xFFFFFE00, s19;
	s1 =	sshll.u32 s18, $0x2  }
0xdf: {  	s1 =	sor.u32 s1, s5  }
0xe0: {  	s1 =	sshra.s32 s1, $0x2  }
0xe1: {  	s1 =	sadd.s32 $0x0, s1;
	[tilespmem:s17+$0x16C10] =	vst v3  }
0xe2: {  	s2 =	sadd.s32 $0x10, s2;
	v3 =	vld [tilespmem:s1+$0xA300]  }
0xe3: {  	s21 =	sand.u32 $0x7F, s2;
	s2 =	sshll.u32 s2, $0x2;
	(v2sf) =	vpush v2, $0xF  }
0xe4: {  	s2 =	sand.u32 $0xFFFFFE00, s2;
	s1 =	sshll.u32 s21, $0x2  }
0xe5: {  	s1 =	sor.u32 s1, s2  }
0xe6: {  	s25 =	spop (v2sf);
	s1 =	sshra.s32 s1, $0x2  }
0xe7: {  	s1 =	sadd.s32 $0x0, s1;
	[tilespmem:s25+$0x16C00] =	vst v3  }
0xe8: {  	v2 =	vld [tilespmem:s1+$0xA300]  }
0xe9: {  	s26 =	sshll.u32 s0, $0x2;
	s30 =	sand.u32 $0x7F, s0  }
0xea: {  	s4 =	sshll.u32 s30, $0x2;
	s1 =	sand.u32 $0xFFFFFE00, s26  }
0xeb: {  	s1 =	sor.u32 s4, s1  }
0xec: {  	s1 =	sshra.s32 s1, $0x2  }
0xed: {  	s1 =	sadd.s32 $0x0, s1;
	[tilespmem:s25+$0x16C10] =	vst v2  }
0xee: {  	s0 =	sadd.s32 $0x10, s0;
	v2 =	vld [tilespmem:s1+$0xA380]  }
0xef: {  	s31 =	sand.u32 $0x7F, s0;
	s0 =	sshll.u32 s0, $0x2  }
0xf0: {  	s0 =	sand.u32 $0xFFFFFE00, s0;
	s1 =	sshll.u32 s31, $0x2  }
0xf1: {  	s0 =	sor.u32 s1, s0  }
0xf2: {  	s1 =	sshra.s32 s0, $0x2;
	s0 =	spop (v2sf)  }
0xf3: {  	s1 =	sadd.s32 $0x0, s1;
	[tilespmem:s0+$0x16C00] =	vst v2  }
0xf4: {  	s29 =	smov.u32 s22;
	[dreg:$0xa] =	wrdreg s28;
	s26 =	simm.s32 $0x2000;
	v2 =	vld [tilespmem:s1+$0xA380]  }
.LBB2_5:
0xf5: {  	_ =	sdelay $0x3  }
0xf6: {  	p0 =	sne.s32 s26, $0x18000;
	s28 =	sadd.s32 $0x10, s28;
	s29 =	sadd.s32 $0x10, s29;
	[tilespmem:s0+$0x16C10] =	vst v2  }
0xf7: {  	s0 =	smov.u32 s26;
	s26 =	sadd.s32 $0x2000, s26;
	v3 =	vld [tilespmem:s28+$0x0];
	_ =	sdelay $0x4  }
0xf8: {  	(v2sf) =	vpush v3, $0x0;
	_ =	sdelay $0x2  }
0xf9: {  	(v2sf) =	vpush v3, $0x1;
	_ =	sdelay $0x1  }
0xfa: {  	v2 =	vld [tilespmem:s29+$0x0];
	_ =	sdelay $0x3  }
0xfb: {  	(v2sf) =	vpush v3, $0x2  }
0xfc: {  	(v2sf) =	vpush v2, $0x0;
	_ =	sdelay $0x4  }
0xfd: {  	s30 =	sshra.s32 s0, $0x2;
	s0 =	spop (v2sf);
	(v2sf) =	vpush v3, $0x3  }
0xfe: {  	s1 =	sand.u32 $0x7F, s0;
	s2 =	sshll.u32 s0, $0x2;
	s0 =	sadd.s32 $0x10, s0  }
0xff: {  	s2 =	sand.u32 $0xFFFFFE00, s2;
	s1 =	sshll.u32 s1, $0x2;
	s4 =	sand.u32 $0x7F, s0  }
0x100: {  	s0 =	sshll.u32 s0, $0x2;
	s1 =	sor.u32 s1, s2;
	s2 =	spop (v2sf)  }
0x101: {  	s0 =	sand.u32 $0xFFFFFE00, s0;
	s1 =	sshra.s32 s1, $0x2;
	s5 =	sand.u32 $0x7F, s2  }
0x102: {  	s4 =	sshll.u32 s4, $0x2;
	s6 =	sshll.u32 s2, $0x2;
	s1 =	sadd.s32 s30, s1;
	(v2sf) =	vpush v3, $0x4  }
0x103: {  	s0 =	sor.u32 s4, s0;
	s4 =	sshll.u32 s5, $0x2;
	v4 =	vld [tilespmem:s1+$0x9C00];
	s1 =	sand.u32 $0xFFFFFE00, s6  }
0x104: {  	s2 =	sadd.s32 $0x10, s2;
	s0 =	sshra.s32 s0, $0x2;
	s1 =	sor.u32 s4, s1;
	(v2sf) =	vpush v2, $0x1  }
0x105: {  	s4 =	sshra.s32 s1, $0x2;
	s1 =	sand.u32 $0x7F, s2;
	s2 =	sshll.u32 s2, $0x2  }
0x106: {  	s2 =	sand.u32 $0xFFFFFE00, s2;
	s1 =	sshll.u32 s1, $0x2;
	s5 =	spop (v2sf)  }
0x107: {  	s1 =	sor.u32 s1, s2;
	s2 =	sand.u32 $0x7F, s5;
	s6 =	spop (v2sf)  }
0x108: {  	s0 =	sadd.s32 s30, s0;
	[tilespmem:s6+$0x16C00] =	vst v4;
	s7 =	sshra.s32 s1, $0x2;
	s1 =	sshll.u32 s5, $0x2;
	(v2sf) =	vpush v3, $0x5  }
0x109: {  	v4 =	vld [tilespmem:s0+$0x9C00];
	s0 =	sand.u32 $0xFFFFFE00, s1;
	s1 =	sshll.u32 s2, $0x2;
	s2 =	sadd.s32 $0x10, s5  }
0x10a: {  	s0 =	sor.u32 s1, s0;
	s5 =	sand.u32 $0x7F, s2;
	s2 =	sshll.u32 s2, $0x2  }
0x10b: {  	s1 =	sshra.s32 s0, $0x2;
	s0 =	sand.u32 $0xFFFFFE00, s2;
	s2 =	sshll.u32 s5, $0x2  }
0x10c: {  	s0 =	sor.u32 s2, s0;
	s2 =	spop (v2sf)  }
0x10d: {  	s0 =	sshra.s32 s0, $0x2;
	s5 =	sand.u32 $0x7F, s2;
	s8 =	sadd.s32 $0x10, s2  }
0x10e: {  	s4 =	sadd.s32 s30, s4;
	s2 =	sshll.u32 s2, $0x2;
	[tilespmem:s6+$0x16C10] =	vst v4;
	s0 =	sadd.s32 s30, s0;
	(v2sf) =	vpush v3, $0x6  }
0x10f: {  	s6 =	sshll.u32 s8, $0x2;
	v4 =	vld [tilespmem:s4+$0x9C80];
	s4 =	sshll.u32 s5, $0x2;
	s5 =	sand.u32 $0x7F, s8  }
0x110: {  	s2 =	sand.u32 $0xFFFFFE00, s2;
	s6 =	sand.u32 $0xFFFFFE00, s6;
	s5 =	sshll.u32 s5, $0x2;
	(v2sf) =	vpush v2, $0x2  }
0x111: {  	s2 =	sor.u32 s4, s2;
	s4 =	sor.u32 s5, s6;
	s5 =	spop (v2sf)  }
0x112: {  	s2 =	sshra.s32 s2, $0x2;
	s4 =	sshra.s32 s4, $0x2;
	s8 =	sand.u32 $0x7F, s5  }
0x113: {  	s6 =	sadd.s32 s30, s4;
	s4 =	sshll.u32 s8, $0x2;
	s8 =	spop (v2sf);
	(v2sf) =	vpush v3, $0x7  }
0x114: {  	s7 =	sadd.s32 s30, s7;
	s9 =	sshll.u32 s5, $0x2;
	s5 =	sadd.s32 $0x10, s5;
	[tilespmem:s8+$0x16C00] =	vst v4  }
0x115: {  	s9 =	sand.u32 $0xFFFFFE00, s9;
	s11 =	sand.u32 $0x7F, s5;
	s5 =	sshll.u32 s5, $0x2;
	v4 =	vld [tilespmem:s7+$0x9C80]  }
0x116: {  	s7 =	sadd.s32 s30, s2;
	s2 =	sor.u32 s4, s9;
	s4 =	sand.u32 $0xFFFFFE00, s5  }
0x117: {  	s9 =	sshll.u32 s11, $0x2;
	s2 =	sshra.s32 s2, $0x2;
	s11 =	spop (v2sf);
	(v2sf) =	vpush v3, $0x8  }
0x118: {  	s5 =	sadd.s32 s30, s2;
	s2 =	sor.u32 s9, s4;
	s9 =	sand.u32 $0x7F, s11  }
0x119: {  	s2 =	sshra.s32 s2, $0x2;
	s12 =	sshll.u32 s11, $0x2;
	s11 =	sadd.s32 $0x10, s11  }
0x11a: {  	s1 =	sadd.s32 s30, s1;
	s4 =	sadd.s32 s30, s2;
	s2 =	sand.u32 $0xFFFFFE00, s12;
	[tilespmem:s8+$0x16C10] =	vst v4  }
0x11b: {  	s8 =	sand.u32 $0x7F, s11;
	v4 =	vld [tilespmem:s1+$0x9D00];
	s1 =	sshll.u32 s9, $0x2;
	s9 =	sshll.u32 s11, $0x2  }
0x11c: {  	s8 =	sshll.u32 s8, $0x2;
	s1 =	sor.u32 s1, s2;
	s2 =	sand.u32 $0xFFFFFE00, s9;
	(v2sf) =	vpush v2, $0x3  }
0x11d: {  	s1 =	sshra.s32 s1, $0x2;
	s8 =	sor.u32 s8, s2;
	s9 =	spop (v2sf);
	(v2sf) =	vpush v3, $0x9  }
0x11e: {  	s2 =	sadd.s32 s30, s1;
	s1 =	sshra.s32 s8, $0x2;
	s8 =	sadd.s32 $0x10, s9  }
0x11f: {  	s16 =	sadd.s32 s30, s1;
	s1 =	sand.u32 $0x7F, s9;
	s11 =	spop (v2sf)  }
0x120: {  	s12 =	sand.u32 $0x7F, s8;
	s8 =	sshll.u32 s8, $0x2;
	[tilespmem:s11+$0x16C00] =	vst v4;
	s1 =	sshll.u32 s1, $0x2  }
0x121: {  	s8 =	sand.u32 $0xFFFFFE00, s8;
	v4 =	vld [tilespmem:s0+$0x9D00];
	s0 =	sshll.u32 s9, $0x2;
	s9 =	sshll.u32 s12, $0x2  }
0x122: {  	s0 =	sand.u32 $0xFFFFFE00, s0;
	s8 =	sor.u32 s9, s8;
	s9 =	spop (v2sf)  }
0x123: {  	s0 =	sor.u32 s1, s0;
	s1 =	sshra.s32 s8, $0x2;
	s8 =	sshll.u32 s9, $0x2  }
0x124: {  	s12 =	sand.u32 $0x7F, s9;
	s0 =	sshra.s32 s0, $0x2;
	s1 =	sadd.s32 s30, s1;
	(v2sf) =	vpush v3, $0xA  }
0x125: {  	s14 =	sadd.s32 s30, s0;
	s0 =	sand.u32 $0xFFFFFE00, s8;
	s8 =	sshll.u32 s12, $0x2  }
0x126: {  	[tilespmem:s11+$0x16C10] =	vst v4;
	s0 =	sor.u32 s8, s0;
	s8 =	sadd.s32 $0x10, s9;
	s9 =	spop (v2sf)  }
0x127: {  	v4 =	vld [tilespmem:s7+$0x9D80];
	s0 =	sshra.s32 s0, $0x2;
	s7 =	sand.u32 $0x7F, s8;
	s8 =	sshll.u32 s8, $0x2  }
0x128: {  	s31 =	sadd.s32 s30, s0;
	s0 =	sand.u32 $0xFFFFFE00, s8;
	s7 =	sshll.u32 s7, $0x2;
	(v2sf) =	vpush v2, $0x4  }
0x129: {  	s8 =	sshll.u32 s9, $0x2;
	s0 =	sor.u32 s7, s0;
	s7 =	sand.u32 $0x7F, s9;
	(v2sf) =	vpush v3, $0xB  }
0x12a: {  	s8 =	sand.u32 $0xFFFFFE00, s8;
	s0 =	sshra.s32 s0, $0x2;
	s7 =	sshll.u32 s7, $0x2  }
0x12b: {  	s0 =	sadd.s32 s30, s0;
	s7 =	sor.u32 s7, s8;
	s8 =	spop (v2sf)  }
0x12c: {  	s9 =	sadd.s32 $0x10, s9;
	[tilespmem:s8+$0x16C00] =	vst v4;
	s7 =	sshra.s32 s7, $0x2;
	s12 =	spop (v2sf)  }
0x12d: {  	v4 =	vld [tilespmem:s6+$0x9D80];
	s11 =	sadd.s32 s30, s7;
	s6 =	sand.u32 $0x7F, s9;
	s7 =	sshll.u32 s9, $0x2;
	(v2sf) =	vpush v3, $0xC  }
0x12e: {  	s9 =	sadd.s32 $0x10, s12;
	s7 =	sand.u32 $0xFFFFFE00, s7;
	s6 =	sshll.u32 s6, $0x2  }
0x12f: {  	s6 =	sor.u32 s6, s7;
	s7 =	sand.u32 $0x7F, s9;
	s9 =	sshll.u32 s9, $0x2  }
0x130: {  	s6 =	sshra.s32 s6, $0x2;
	s9 =	sand.u32 $0xFFFFFE00, s9;
	s7 =	sshll.u32 s7, $0x2  }
0x131: {  	s15 =	sadd.s32 s30, s6;
	s6 =	sand.u32 $0x7F, s12;
	s12 =	sshll.u32 s12, $0x2  }
0x132: {  	s9 =	sor.u32 s7, s9;
	[tilespmem:s8+$0x16C10] =	vst v4;
	s8 =	sand.u32 $0xFFFFFE00, s12;
	s6 =	sshll.u32 s6, $0x2;
	(v2sf) =	vpush v3, $0xD  }
0x133: {  	v4 =	vld [tilespmem:s5+$0x9E00];
	s7 =	sor.u32 s6, s8;
	s5 =	sshra.s32 s9, $0x2;
	s6 =	spop (v2sf)  }
0x134: {  	s12 =	sadd.s32 s30, s5;
	s5 =	sand.u32 $0x7F, s6;
	s8 =	sadd.s32 $0x10, s6;
	(v2sf) =	vpush v2, $0x5  }
0x135: {  	s6 =	sshll.u32 s6, $0x2;
	s9 =	sand.u32 $0x7F, s8;
	s8 =	sshll.u32 s8, $0x2  }
0x136: {  	s6 =	sand.u32 $0xFFFFFE00, s6;
	s8 =	sand.u32 $0xFFFFFE00, s8;
	s9 =	sshll.u32 s9, $0x2  }
0x137: {  	s5 =	sshll.u32 s5, $0x2;
	s8 =	sor.u32 s9, s8;
	s9 =	spop (v2sf)  }
0x138: {  	s5 =	sor.u32 s5, s6;
	[tilespmem:s9+$0x16C00] =	vst v4;
	s6 =	sshra.s32 s8, $0x2;
	s17 =	spop (v2sf)  }
0x139: {  	v4 =	vld [tilespmem:s4+$0x9E00];
	s4 =	sshra.s32 s5, $0x2;
	s6 =	sadd.s32 s30, s6;
	s5 =	sadd.s32 $0x10, s17  }
0x13a: {  	s8 =	sadd.s32 s30, s4;
	s4 =	sshll.u32 s17, $0x2;
	s18 =	sand.u32 $0x7F, s5;
	(v2sf) =	vpush v3, $0xE  }
0x13b: {  	s17 =	sand.u32 $0x7F, s17;
	s5 =	sshll.u32 s5, $0x2;
	s18 =	sshll.u32 s18, $0x2  }
0x13c: {  	s17 =	sshll.u32 s17, $0x2;
	s5 =	sand.u32 $0xFFFFFE00, s5;
	s19 =	spop (v2sf)  }
0x13d: {  	s4 =	sand.u32 $0xFFFFFE00, s4;
	s5 =	sor.u32 s18, s5;
	s18 =	sand.u32 $0x7F, s19  }
0x13e: {  	s4 =	sor.u32 s17, s4;
	s5 =	sshra.s32 s5, $0x2;
	[tilespmem:s9+$0x16C10] =	vst v4;
	s9 =	sshll.u32 s19, $0x2  }
0x13f: {  	s18 =	sshll.u32 s18, $0x2;
	v4 =	vld [tilespmem:s2+$0x9E80];
	s2 =	sshra.s32 s4, $0x2;
	s4 =	sand.u32 $0xFFFFFE00, s9;
	(v2sf) =	vpush v3, $0xF  }
0x140: {  	s9 =	sadd.s32 s30, s5;
	s17 =	sadd.s32 s30, s2;
	s2 =	sor.u32 s18, s4;
	(v2sf) =	vpush v2, $0x6  }
0x141: {  	s4 =	sadd.s32 $0x10, s19;
	s2 =	sshra.s32 s2, $0x2;
	s5 =	spop (v2sf)  }
0x142: {  	s19 =	sadd.s32 s30, s2;
	s2 =	sand.u32 $0x7F, s4;
	s4 =	sshll.u32 s4, $0x2  }
0x143: {  	s4 =	sand.u32 $0xFFFFFE00, s4;
	s2 =	sshll.u32 s2, $0x2;
	s18 =	spop (v2sf)  }
0x144: {  	s3 =	sshll.u32 s5, $0x2;
	[tilespmem:s18+$0x16C00] =	vst v4;
	s2 =	sor.u32 s2, s4;
	s4 =	sand.u32 $0x7F, s5  }
0x145: {  	s3 =	sand.u32 $0xFFFFFE00, s3;
	v3 =	vld [tilespmem:s16+$0x9E80];
	s2 =	sshra.s32 s2, $0x2;
	s4 =	sshll.u32 s4, $0x2  }
0x146: {  	s16 =	sadd.s32 s30, s2;
	s2 =	sor.u32 s4, s3;
	s3 =	sadd.s32 $0x10, s5  }
0x147: {  	s2 =	sshra.s32 s2, $0x2;
	s4 =	sand.u32 $0x7F, s3;
	s3 =	sshll.u32 s3, $0x2  }
0x148: {  	s2 =	sadd.s32 s30, s2;
	s3 =	sand.u32 $0xFFFFFE00, s3;
	s4 =	sshll.u32 s4, $0x2  }
0x149: {  	s3 =	sor.u32 s4, s3;
	s4 =	spop (v2sf)  }
0x14a: {  	[tilespmem:s18+$0x16C10] =	vst v3;
	s3 =	sshra.s32 s3, $0x2;
	s5 =	sand.u32 $0x7F, s4;
	s18 =	sadd.s32 $0x10, s4  }
0x14b: {  	v3 =	vld [tilespmem:s14+$0x9F00];
	s14 =	sadd.s32 s30, s3;
	s3 =	sand.u32 $0x7F, s18;
	s18 =	sshll.u32 s18, $0x2  }
0x14c: {  	s4 =	sshll.u32 s4, $0x2;
	s18 =	sand.u32 $0xFFFFFE00, s18;
	s3 =	sshll.u32 s3, $0x2;
	(v2sf) =	vpush v2, $0x7  }
0x14d: {  	s4 =	sand.u32 $0xFFFFFE00, s4;
	s5 =	sshll.u32 s5, $0x2;
	s3 =	sor.u32 s3, s18  }
0x14e: {  	s4 =	sor.u32 s5, s4;
	s3 =	sshra.s32 s3, $0x2;
	s5 =	spop (v2sf)  }
0x14f: {  	s4 =	sshra.s32 s4, $0x2;
	s25 =	sshll.u32 s5, $0x2;
	s10 =	spop (v2sf)  }
0x150: {  	s18 =	sadd.s32 s30, s4;
	[tilespmem:s10+$0x16C00] =	vst v3;
	s4 =	sand.u32 $0xFFFFFE00, s25;
	s25 =	sadd.s32 $0x10, s5  }
0x151: {  	v3 =	vld [tilespmem:s1+$0x9F00];
	s1 =	sand.u32 $0x7F, s5;
	s5 =	sand.u32 $0x7F, s25;
	s25 =	sshll.u32 s25, $0x2  }
0x152: {  	s1 =	sshll.u32 s1, $0x2;
	s25 =	sand.u32 $0xFFFFFE00, s25;
	s21 =	sshll.u32 s5, $0x2  }
0x153: {  	s5 =	sadd.s32 s30, s3;
	s1 =	sor.u32 s1, s4;
	s3 =	sor.u32 s21, s25  }
0x154: {  	s1 =	sshra.s32 s1, $0x2;
	s3 =	sshra.s32 s3, $0x2  }
0x155: {  	s4 =	sadd.s32 s30, s1;
	s1 =	sadd.s32 s30, s3  }
0x156: {  	[tilespmem:s10+$0x16C10] =	vst v3  }
0x157: {  	v3 =	vld [tilespmem:s31+$0x9F80]  }
0x158: {  	(v2sf) =	vpush v2, $0x8;
	_ =	sdelay $0x2  }
0x159: {  	s3 =	spop (v2sf)  }
0x15a: {  	[tilespmem:s3+$0x16C00] =	vst v3  }
0x15b: {  	v3 =	vld [tilespmem:s0+$0x9F80];
	_ =	sdelay $0x4  }
0x15c: {  	[tilespmem:s3+$0x16C10] =	vst v3  }
0x15d: {  	v3 =	vld [tilespmem:s11+$0xA000]  }
0x15e: {  	(v2sf) =	vpush v2, $0x9;
	_ =	sdelay $0x2  }
0x15f: {  	s0 =	spop (v2sf)  }
0x160: {  	[tilespmem:s0+$0x16C00] =	vst v3  }
0x161: {  	v3 =	vld [tilespmem:s15+$0xA000];
	_ =	sdelay $0x3  }
0x162: {  	s3 =	sshra.s32 s7, $0x2  }
0x163: {  	[tilespmem:s0+$0x16C10] =	vst v3;
	s0 =	sadd.s32 s30, s3  }
0x164: {  	v3 =	vld [tilespmem:s0+$0xA080]  }
0x165: {  	(v2sf) =	vpush v2, $0xA;
	_ =	sdelay $0x2  }
0x166: {  	s0 =	spop (v2sf)  }
0x167: {  	[tilespmem:s0+$0x16C00] =	vst v3  }
0x168: {  	v3 =	vld [tilespmem:s12+$0xA080];
	_ =	sdelay $0x4  }
0x169: {  	[tilespmem:s0+$0x16C10] =	vst v3  }
0x16a: {  	v3 =	vld [tilespmem:s8+$0xA100]  }
0x16b: {  	(v2sf) =	vpush v2, $0xB;
	_ =	sdelay $0x2  }
0x16c: {  	s0 =	spop (v2sf)  }
0x16d: {  	[tilespmem:s0+$0x16C00] =	vst v3  }
0x16e: {  	v3 =	vld [tilespmem:s6+$0xA100];
	_ =	sdelay $0x4  }
0x16f: {  	[tilespmem:s0+$0x16C10] =	vst v3  }
0x170: {  	v3 =	vld [tilespmem:s17+$0xA180]  }
0x171: {  	(v2sf) =	vpush v2, $0xC;
	_ =	sdelay $0x2  }
0x172: {  	s0 =	spop (v2sf)  }
0x173: {  	[tilespmem:s0+$0x16C00] =	vst v3  }
0x174: {  	v3 =	vld [tilespmem:s9+$0xA180];
	_ =	sdelay $0x4  }
0x175: {  	[tilespmem:s0+$0x16C10] =	vst v3  }
0x176: {  	v3 =	vld [tilespmem:s19+$0xA200]  }
0x177: {  	(v2sf) =	vpush v2, $0xD;
	_ =	sdelay $0x2  }
0x178: {  	s0 =	spop (v2sf)  }
0x179: {  	[tilespmem:s0+$0x16C00] =	vst v3  }
0x17a: {  	v3 =	vld [tilespmem:s16+$0xA200];
	_ =	sdelay $0x4  }
0x17b: {  	[tilespmem:s0+$0x16C10] =	vst v3  }
0x17c: {  	v3 =	vld [tilespmem:s2+$0xA280]  }
0x17d: {  	(v2sf) =	vpush v2, $0xE;
	_ =	sdelay $0x2  }
0x17e: {  	s0 =	spop (v2sf)  }
0x17f: {  	[tilespmem:s0+$0x16C00] =	vst v3  }
0x180: {  	v3 =	vld [tilespmem:s14+$0xA280];
	_ =	sdelay $0x4  }
0x181: {  	[tilespmem:s0+$0x16C10] =	vst v3  }
0x182: {  	v3 =	vld [tilespmem:s18+$0xA300]  }
0x183: {  	(v2sf) =	vpush v2, $0xF;
	_ =	sdelay $0x2  }
0x184: {  	s0 =	spop (v2sf)  }
0x185: {  	[tilespmem:s0+$0x16C00] =	vst v3  }
0x186: {  	v2 =	vld [tilespmem:s5+$0xA300];
	_ =	sdelay $0x4  }
0x187: {  	[tilespmem:s0+$0x16C10] =	vst v2  }
0x188: {  	v2 =	vld [tilespmem:s4+$0xA380];
	_ =	sdelay $0x1  }
.Ltmp1:
0x189: {  	(pc) =	sbr.rel @p0 .LBB2_5-.Ltmp1, $4  }
0x18a: {  	_ = 	snop  }
0x18b: {  	s0 =	spop (v2sf)  }
0x18c: {  	[tilespmem:s0+$0x16C00] =	vst v2  }
0x18d: {  	v2 =	vld [tilespmem:s1+$0xA380]  }
0x18e: {  	s1 =	sshll.u32 s20, $0x4;
	s2 =	rddreg [dreg:$0x4]  }
0x18f: {  	s1 =	sadd.s32 s2, s1  }
0x190: {  	s1 =	smul.u32 $0x70, s1  }
0x191: {  	s19 =	rddreg [dreg:$0x3]  }
0x192: {  	s21 =	simm.s32 $0x0;
	p0 =	seq.s32 s20, $0x1F;
	[tilespmem:s0+$0x16C10] =	vst v2;
	s0 =	sadd.s32 s19, s1  }
0x193: {  	[hbm4b:s0+s21] =	stream.linear.scatter [tilespmem:s13], [sflag:$0x3], $0x1C00, $0x38;
	[tilespmem:$0x18800] =	vst v63  }
0x194: {  	s25 =	simm.s32 $0x3;
	s0 =	smul.u32 @!p0 $0x680, s20  }
0x195: {  	s26 =	simm.s32 $0x2;
	s2 =	simm.s32 @!p0 $0x9C00;
	_ =	swait.ge [sflag:s25], $0x1C00  }
0x196: {  	s1 =	simm.s32 @!p0 $0xD0;
	[sflag:s25] =	ssyncset.done $0x0;
	s0 =	sshra.s32 @!p0 s0, $0x2  }
0x197: {  	s3 =	rddreg [dreg:$0x2];
	[sflag:s25] =	ssyncadd.s32 $0xFFFFE400;
	s0 =	sadd.s32 @!p0 $0x1A0, s0  }
0x198: {  	[tilespmem:s2], [sflag:$0x1] =	stream.indirect.gather @!p0 [hbm4b:s3+s1], $0x80, s0, s1, $0xb8;
	[tilespmem:$0x18800] =	vst v63  }
0x199: {  	_ =	swait.ge [sflag:s26], $0x6800  }
0x19a: {  	[sflag:s26] =	ssyncset.done $0x0  }
0x19b: {  	[sflag:s26] =	ssyncadd.s32 $0xFFFF9800  }
0x19c: {  	v3 =	vld [tilespmem:s23+$0x0];
	_ =	sdelay $0x4  }
0x19d: {  	(v2sf) =	vpush v3, $0x0;
	_ =	sdelay $0x4  }
0x19e: {  	v2 =	vld [tilespmem:s24+$0x0];
	_ =	sdelay $0x2  }
0x19f: {  	(v2sf) =	vpush v3, $0x1  }
0x1a0: {  	(v2sf) =	vpush v3, $0x2  }
0x1a1: {  	(v2sf) =	vpush v2, $0x0;
	_ =	sdelay $0x4  }
0x1a2: {  	s30 =	spop (v2sf)  }
0x1a3: {  	s31 =	sand.u32 $0x7F, s30;
	s3 =	sshll.u32 s30, $0x2  }
0x1a4: {  	s2 =	sand.u32 $0xFFFFFE00, s3;
	s1 =	sshll.u32 s31, $0x2  }
0x1a5: {  	s1 =	sor.u32 s1, s2  }
0x1a6: {  	s1 =	sshra.s32 s1, $0x2  }
0x1a7: {  	(v2sf) =	vpush v3, $0x3;
	s1 =	sadd.s32 $0x0, s1  }
0x1a8: {  	(v2sf) =	vpush v3, $0x4;
	s0 =	sadd.s32 $0x10, s30;
	v4 =	vld [tilespmem:s1+$0x10400]  }
0x1a9: {  	(v2sf) =	vpush v2, $0x1;
	s4 =	sand.u32 $0x7F, s0;
	s0 =	sshll.u32 s0, $0x2  }
0x1aa: {  	s5 =	spop (v2sf);
	s0 =	sand.u32 $0xFFFFFE00, s0;
	s1 =	sshll.u32 s4, $0x2  }
0x1ab: {  	s6 =	spop (v2sf);
	s0 =	sor.u32 s1, s0  }
0x1ac: {  	s7 =	spop (v2sf);
	s0 =	sshra.s32 s0, $0x2  }
0x1ad: {  	s0 =	sadd.s32 $0x0, s0;
	[tilespmem:s7+$0x16C00] =	vst v4  }
0x1ae: {  	v4 =	vld [tilespmem:s0+$0x10400]  }
0x1af: {  	s8 =	sand.u32 $0x7F, s5;
	s4 =	sshll.u32 s5, $0x2  }
0x1b0: {  	s4 =	sand.u32 $0xFFFFFE00, s4;
	s0 =	sshll.u32 s8, $0x2  }
0x1b1: {  	s0 =	sor.u32 s0, s4  }
0x1b2: {  	s0 =	sshra.s32 s0, $0x2  }
0x1b3: {  	(v2sf) =	vpush v3, $0x5;
	s0 =	sadd.s32 $0x0, s0;
	[tilespmem:s7+$0x16C10] =	vst v4  }
0x1b4: {  	(v2sf) =	vpush v3, $0x6;
	s2 =	sadd.s32 $0x10, s5;
	v4 =	vld [tilespmem:s0+$0x10480]  }
0x1b5: {  	(v2sf) =	vpush v2, $0x2;
	s9 =	sand.u32 $0x7F, s2;
	s2 =	sshll.u32 s2, $0x2  }
0x1b6: {  	s10 =	spop (v2sf);
	s2 =	sand.u32 $0xFFFFFE00, s2;
	s0 =	sshll.u32 s9, $0x2  }
0x1b7: {  	s11 =	spop (v2sf);
	s0 =	sor.u32 s0, s2  }
0x1b8: {  	s12 =	spop (v2sf);
	s0 =	sshra.s32 s0, $0x2  }
0x1b9: {  	s0 =	sadd.s32 $0x0, s0;
	[tilespmem:s12+$0x16C00] =	vst v4  }
0x1ba: {  	v4 =	vld [tilespmem:s0+$0x10480]  }
0x1bb: {  	s14 =	sand.u32 $0x7F, s6;
	s5 =	sshll.u32 s6, $0x2  }
0x1bc: {  	s5 =	sand.u32 $0xFFFFFE00, s5;
	s0 =	sshll.u32 s14, $0x2  }
0x1bd: {  	s0 =	sor.u32 s0, s5  }
0x1be: {  	s0 =	sshra.s32 s0, $0x2  }
0x1bf: {  	(v2sf) =	vpush v3, $0x7;
	s0 =	sadd.s32 $0x0, s0;
	[tilespmem:s12+$0x16C10] =	vst v4  }
0x1c0: {  	(v2sf) =	vpush v3, $0x8;
	s1 =	sadd.s32 $0x10, s6;
	v4 =	vld [tilespmem:s0+$0x10500]  }
0x1c1: {  	(v2sf) =	vpush v2, $0x3;
	s15 =	sand.u32 $0x7F, s1;
	s1 =	sshll.u32 s1, $0x2  }
0x1c2: {  	s16 =	sand.u32 $0xFFFFFE00, s1;
	s17 =	spop (v2sf);
	s0 =	sshll.u32 s15, $0x2  }
0x1c3: {  	s18 =	spop (v2sf);
	s4 =	sor.u32 s0, s16  }
0x1c4: {  	s19 =	spop (v2sf);
	s4 =	sshra.s32 s4, $0x2  }
0x1c5: {  	s4 =	sadd.s32 $0x0, s4;
	[tilespmem:s19+$0x16C00] =	vst v4  }
0x1c6: {  	v4 =	vld [tilespmem:s4+$0x10500]  }
0x1c7: {  	s21 =	sand.u32 $0x7F, s10;
	s6 =	sshll.u32 s10, $0x2  }
0x1c8: {  	s6 =	sand.u32 $0xFFFFFE00, s6;
	s4 =	sshll.u32 s21, $0x2  }
0x1c9: {  	s4 =	sor.u32 s4, s6  }
0x1ca: {  	s4 =	sshra.s32 s4, $0x2  }
0x1cb: {  	(v2sf) =	vpush v3, $0x9;
	s4 =	sadd.s32 $0x0, s4;
	[tilespmem:s19+$0x16C10] =	vst v4  }
0x1cc: {  	s3 =	sadd.s32 $0x10, s10;
	(v2sf) =	vpush v3, $0xA;
	v4 =	vld [tilespmem:s4+$0x10580]  }
0x1cd: {  	s25 =	sand.u32 $0x7F, s3;
	s3 =	sshll.u32 s3, $0x2;
	(v2sf) =	vpush v2, $0x4  }
0x1ce: {  	s3 =	sand.u32 $0xFFFFFE00, s3;
	s9 =	spop (v2sf);
	s4 =	sshll.u32 s25, $0x2  }
0x1cf: {  	s7 =	spop (v2sf);
	s3 =	sor.u32 s4, s3  }
0x1d0: {  	s26 =	spop (v2sf);
	s3 =	sshra.s32 s3, $0x2  }
0x1d1: {  	s3 =	sadd.s32 $0x0, s3;
	[tilespmem:s26+$0x16C00] =	vst v4  }
0x1d2: {  	v4 =	vld [tilespmem:s3+$0x10580]  }
0x1d3: {  	s30 =	sand.u32 $0x7F, s11;
	s31 =	sshll.u32 s11, $0x2  }
0x1d4: {  	s5 =	sand.u32 $0xFFFFFE00, s31;
	s3 =	sshll.u32 s30, $0x2  }
0x1d5: {  	s3 =	sor.u32 s3, s5  }
0x1d6: {  	(v2sf) =	vpush v3, $0xB;
	s3 =	sshra.s32 s3, $0x2  }
0x1d7: {  	(v2sf) =	vpush v3, $0xC;
	s3 =	sadd.s32 $0x0, s3;
	[tilespmem:s26+$0x16C10] =	vst v4  }
0x1d8: {  	s2 =	sadd.s32 $0x10, s11;
	(v2sf) =	vpush v3, $0xD;
	v4 =	vld [tilespmem:s3+$0x10600]  }
0x1d9: {  	(v2sf) =	vpush v2, $0x5;
	s6 =	sand.u32 $0x7F, s2;
	s2 =	sshll.u32 s2, $0x2  }
0x1da: {  	s8 =	spop (v2sf);
	s2 =	sand.u32 $0xFFFFFE00, s2;
	s3 =	sshll.u32 s6, $0x2  }
0x1db: {  	s6 =	spop (v2sf);
	s2 =	sor.u32 s3, s2  }
0x1dc: {  	s10 =	spop (v2sf);
	s2 =	sshra.s32 s2, $0x2  }
0x1dd: {  	s2 =	sadd.s32 $0x0, s2;
	[tilespmem:s10+$0x16C00] =	vst v4  }
0x1de: {  	v4 =	vld [tilespmem:s2+$0x10600]  }
0x1df: {  	s11 =	sand.u32 $0x7F, s17;
	s12 =	sshll.u32 s17, $0x2  }
0x1e0: {  	s4 =	sand.u32 $0xFFFFFE00, s12;
	s2 =	sshll.u32 s11, $0x2  }
0x1e1: {  	s2 =	sor.u32 s2, s4  }
0x1e2: {  	s2 =	sshra.s32 s2, $0x2  }
0x1e3: {  	(v2sf) =	vpush v3, $0xE;
	s2 =	sadd.s32 $0x0, s2;
	[tilespmem:s10+$0x16C10] =	vst v4  }
0x1e4: {  	s1 =	sadd.s32 $0x10, s17;
	(v2sf) =	vpush v3, $0xF;
	v4 =	vld [tilespmem:s2+$0x10680]  }
0x1e5: {  	s14 =	sand.u32 $0x7F, s1;
	s1 =	sshll.u32 s1, $0x2;
	s5 =	spop (v2sf);
	(v2sf) =	vpush v2, $0x6  }
0x1e6: {  	s1 =	sand.u32 $0xFFFFFE00, s1;
	s4 =	spop (v2sf);
	s2 =	sshll.u32 s14, $0x2  }
0x1e7: {  	s2 =	sor.u32 s2, s1;
	s1 =	spop (v2sf)  }
0x1e8: {  	s2 =	sshra.s32 s2, $0x2;
	s15 =	spop (v2sf)  }
0x1e9: {  	s2 =	sadd.s32 $0x0, s2;
	[tilespmem:s15+$0x16C00] =	vst v4  }
0x1ea: {  	v3 =	vld [tilespmem:s2+$0x10680]  }
0x1eb: {  	s16 =	sand.u32 $0x7F, s18;
	s10 =	sshll.u32 s18, $0x2  }
0x1ec: {  	s10 =	sand.u32 $0xFFFFFE00, s10;
	s2 =	sshll.u32 s16, $0x2  }
0x1ed: {  	s2 =	sor.u32 s2, s10  }
0x1ee: {  	s2 =	sshra.s32 s2, $0x2  }
0x1ef: {  	s2 =	sadd.s32 $0x0, s2;
	[tilespmem:s15+$0x16C10] =	vst v3  }
0x1f0: {  	s0 =	sadd.s32 $0x10, s18;
	v3 =	vld [tilespmem:s2+$0x10700]  }
0x1f1: {  	s17 =	sand.u32 $0x7F, s0;
	s0 =	sshll.u32 s0, $0x2;
	(v2sf) =	vpush v2, $0x7  }
0x1f2: {  	s0 =	sand.u32 $0xFFFFFE00, s0;
	s18 =	sshll.u32 s17, $0x2;
	s2 =	spop (v2sf)  }
0x1f3: {  	s3 =	sor.u32 s18, s0;
	s0 =	spop (v2sf)  }
0x1f4: {  	s3 =	sshra.s32 s3, $0x2;
	s19 =	spop (v2sf)  }
0x1f5: {  	s3 =	sadd.s32 $0x0, s3;
	[tilespmem:s19+$0x16C00] =	vst v3  }
0x1f6: {  	v3 =	vld [tilespmem:s3+$0x10700]  }
0x1f7: {  	s21 =	sshll.u32 s9, $0x2;
	s11 =	sand.u32 $0x7F, s9  }
0x1f8: {  	s11 =	sshll.u32 s11, $0x2;
	s3 =	sand.u32 $0xFFFFFE00, s21  }
0x1f9: {  	s3 =	sor.u32 s11, s3  }
0x1fa: {  	s3 =	sshra.s32 s3, $0x2  }
0x1fb: {  	s3 =	sadd.s32 $0x0, s3;
	[tilespmem:s19+$0x16C10] =	vst v3  }
0x1fc: {  	s9 =	sadd.s32 $0x10, s9;
	v3 =	vld [tilespmem:s3+$0x10780]  }
0x1fd: {  	s25 =	sand.u32 $0x7F, s9;
	s9 =	sshll.u32 s9, $0x2;
	(v2sf) =	vpush v2, $0x8  }
0x1fe: {  	s9 =	sand.u32 $0xFFFFFE00, s9;
	s3 =	sshll.u32 s25, $0x2  }
0x1ff: {  	s3 =	sor.u32 s3, s9  }
0x200: {  	s26 =	spop (v2sf);
	s3 =	sshra.s32 s3, $0x2  }
0x201: {  	s3 =	sadd.s32 $0x0, s3;
	[tilespmem:s26+$0x16C00] =	vst v3  }
0x202: {  	v3 =	vld [tilespmem:s3+$0x10780]  }
0x203: {  	s31 =	sshll.u32 s7, $0x2;
	s30 =	sand.u32 $0x7F, s7  }
0x204: {  	s10 =	sand.u32 $0xFFFFFE00, s31;
	s3 =	sshll.u32 s30, $0x2  }
0x205: {  	s3 =	sor.u32 s3, s10  }
0x206: {  	s3 =	sshra.s32 s3, $0x2  }
0x207: {  	s3 =	sadd.s32 $0x0, s3;
	[tilespmem:s26+$0x16C10] =	vst v3  }
0x208: {  	s7 =	sadd.s32 $0x10, s7;
	v3 =	vld [tilespmem:s3+$0x10800]  }
0x209: {  	(v2sf) =	vpush v2, $0x9;
	s11 =	sand.u32 $0x7F, s7;
	s7 =	sshll.u32 s7, $0x2  }
0x20a: {  	s7 =	sand.u32 $0xFFFFFE00, s7;
	s3 =	sshll.u32 s11, $0x2  }
0x20b: {  	s3 =	sor.u32 s3, s7  }
0x20c: {  	s12 =	spop (v2sf);
	s3 =	sshra.s32 s3, $0x2  }
0x20d: {  	s3 =	sadd.s32 $0x0, s3;
	[tilespmem:s12+$0x16C00] =	vst v3  }
0x20e: {  	v3 =	vld [tilespmem:s3+$0x10800]  }
0x20f: {  	s14 =	sand.u32 $0x7F, s8;
	s15 =	sshll.u32 s8, $0x2  }
0x210: {  	s9 =	sand.u32 $0xFFFFFE00, s15;
	s3 =	sshll.u32 s14, $0x2  }
0x211: {  	s3 =	sor.u32 s3, s9  }
0x212: {  	s3 =	sshra.s32 s3, $0x2  }
0x213: {  	s3 =	sadd.s32 $0x0, s3;
	[tilespmem:s12+$0x16C10] =	vst v3  }
0x214: {  	s16 =	sadd.s32 $0x10, s8;
	v3 =	vld [tilespmem:s3+$0x10880]  }
0x215: {  	s17 =	sand.u32 $0x7F, s16;
	(v2sf) =	vpush v2, $0xA;
	s7 =	sshll.u32 s16, $0x2  }
0x216: {  	s7 =	sand.u32 $0xFFFFFE00, s7;
	s3 =	sshll.u32 s17, $0x2  }
0x217: {  	s3 =	sor.u32 s3, s7  }
0x218: {  	s18 =	spop (v2sf);
	s3 =	sshra.s32 s3, $0x2  }
0x219: {  	s3 =	sadd.s32 $0x0, s3;
	[tilespmem:s18+$0x16C00] =	vst v3  }
0x21a: {  	v3 =	vld [tilespmem:s3+$0x10880]  }
0x21b: {  	s21 =	sshll.u32 s6, $0x2;
	s19 =	sand.u32 $0x7F, s6  }
0x21c: {  	s8 =	sand.u32 $0xFFFFFE00, s21;
	s3 =	sshll.u32 s19, $0x2  }
0x21d: {  	s3 =	sor.u32 s3, s8  }
0x21e: {  	s3 =	sshra.s32 s3, $0x2  }
0x21f: {  	s3 =	sadd.s32 $0x0, s3;
	[tilespmem:s18+$0x16C10] =	vst v3  }
0x220: {  	s6 =	sadd.s32 $0x10, s6;
	v3 =	vld [tilespmem:s3+$0x10900]  }
0x221: {  	s25 =	sand.u32 $0x7F, s6;
	s6 =	sshll.u32 s6, $0x2;
	(v2sf) =	vpush v2, $0xB  }
0x222: {  	s6 =	sand.u32 $0xFFFFFE00, s6;
	s3 =	sshll.u32 s25, $0x2  }
0x223: {  	s3 =	sor.u32 s3, s6  }
0x224: {  	s26 =	spop (v2sf);
	s3 =	sshra.s32 s3, $0x2  }
0x225: {  	s3 =	sadd.s32 $0x0, s3;
	[tilespmem:s26+$0x16C00] =	vst v3  }
0x226: {  	v3 =	vld [tilespmem:s3+$0x10900]  }
0x227: {  	s31 =	sand.u32 $0x7F, s5;
	s30 =	sshll.u32 s5, $0x2  }
0x228: {  	s7 =	sshll.u32 s31, $0x2;
	s3 =	sand.u32 $0xFFFFFE00, s30  }
0x229: {  	s3 =	sor.u32 s7, s3  }
0x22a: {  	s3 =	sshra.s32 s3, $0x2  }
0x22b: {  	s3 =	sadd.s32 $0x0, s3;
	[tilespmem:s26+$0x16C10] =	vst v3  }
0x22c: {  	s5 =	sadd.s32 $0x10, s5;
	v3 =	vld [tilespmem:s3+$0x10980]  }
0x22d: {  	(v2sf) =	vpush v2, $0xC;
	s7 =	sand.u32 $0x7F, s5;
	s5 =	sshll.u32 s5, $0x2  }
0x22e: {  	s5 =	sand.u32 $0xFFFFFE00, s5;
	s3 =	sshll.u32 s7, $0x2  }
0x22f: {  	s3 =	sor.u32 s3, s5  }
0x230: {  	s8 =	spop (v2sf);
	s3 =	sshra.s32 s3, $0x2  }
0x231: {  	s3 =	sadd.s32 $0x0, s3;
	[tilespmem:s8+$0x16C00] =	vst v3  }
0x232: {  	v3 =	vld [tilespmem:s3+$0x10980]  }
0x233: {  	s10 =	sshll.u32 s4, $0x2;
	s9 =	sand.u32 $0x7F, s4  }
0x234: {  	s6 =	sand.u32 $0xFFFFFE00, s10;
	s3 =	sshll.u32 s9, $0x2  }
0x235: {  	s3 =	sor.u32 s3, s6  }
0x236: {  	s3 =	sshra.s32 s3, $0x2  }
0x237: {  	s3 =	sadd.s32 $0x0, s3;
	[tilespmem:s8+$0x16C10] =	vst v3  }
0x238: {  	s4 =	sadd.s32 $0x10, s4;
	v3 =	vld [tilespmem:s3+$0x10A00]  }
0x239: {  	s11 =	sand.u32 $0x7F, s4;
	s4 =	sshll.u32 s4, $0x2;
	(v2sf) =	vpush v2, $0xD  }
0x23a: {  	s4 =	sand.u32 $0xFFFFFE00, s4;
	s3 =	sshll.u32 s11, $0x2  }
0x23b: {  	s3 =	sor.u32 s3, s4  }
0x23c: {  	s12 =	spop (v2sf);
	s3 =	sshra.s32 s3, $0x2  }
0x23d: {  	s3 =	sadd.s32 $0x0, s3;
	[tilespmem:s12+$0x16C00] =	vst v3  }
0x23e: {  	v3 =	vld [tilespmem:s3+$0x10A00]  }
0x23f: {  	s15 =	sshll.u32 s1, $0x2;
	s14 =	sand.u32 $0x7F, s1  }
0x240: {  	s5 =	sand.u32 $0xFFFFFE00, s15;
	s3 =	sshll.u32 s14, $0x2  }
0x241: {  	s3 =	sor.u32 s3, s5  }
0x242: {  	s3 =	sshra.s32 s3, $0x2  }
0x243: {  	s3 =	sadd.s32 $0x0, s3;
	[tilespmem:s12+$0x16C10] =	vst v3  }
0x244: {  	s1 =	sadd.s32 $0x10, s1;
	v3 =	vld [tilespmem:s3+$0x10A80]  }
0x245: {  	s16 =	sand.u32 $0x7F, s1;
	s1 =	sshll.u32 s1, $0x2;
	(v2sf) =	vpush v2, $0xE  }
0x246: {  	s1 =	sand.u32 $0xFFFFFE00, s1;
	s3 =	sshll.u32 s16, $0x2  }
0x247: {  	s1 =	sor.u32 s3, s1  }
0x248: {  	s17 =	spop (v2sf);
	s1 =	sshra.s32 s1, $0x2  }
0x249: {  	s1 =	sadd.s32 $0x0, s1;
	[tilespmem:s17+$0x16C00] =	vst v3  }
0x24a: {  	v3 =	vld [tilespmem:s1+$0x10A80]  }
0x24b: {  	s19 =	sshll.u32 s2, $0x2;
	s18 =	sand.u32 $0x7F, s2  }
0x24c: {  	s4 =	sand.u32 $0xFFFFFE00, s19;
	s1 =	sshll.u32 s18, $0x2  }
0x24d: {  	s1 =	sor.u32 s1, s4  }
0x24e: {  	s1 =	sshra.s32 s1, $0x2  }
0x24f: {  	s1 =	sadd.s32 $0x0, s1;
	[tilespmem:s17+$0x16C10] =	vst v3  }
0x250: {  	s2 =	sadd.s32 $0x10, s2;
	v3 =	vld [tilespmem:s1+$0x10B00]  }
0x251: {  	s21 =	sand.u32 $0x7F, s2;
	s2 =	sshll.u32 s2, $0x2;
	(v2sf) =	vpush v2, $0xF  }
0x252: {  	s2 =	sand.u32 $0xFFFFFE00, s2;
	s1 =	sshll.u32 s21, $0x2  }
0x253: {  	s1 =	sor.u32 s1, s2  }
0x254: {  	s25 =	spop (v2sf);
	s1 =	sshra.s32 s1, $0x2  }
0x255: {  	s1 =	sadd.s32 $0x0, s1;
	[tilespmem:s25+$0x16C00] =	vst v3  }
0x256: {  	v2 =	vld [tilespmem:s1+$0x10B00]  }
0x257: {  	s30 =	sand.u32 $0x7F, s0;
	s26 =	sshll.u32 s0, $0x2  }
0x258: {  	s3 =	sshll.u32 s30, $0x2;
	s1 =	sand.u32 $0xFFFFFE00, s26  }
0x259: {  	s1 =	sor.u32 s3, s1  }
0x25a: {  	s1 =	sshra.s32 s1, $0x2  }
0x25b: {  	s1 =	sadd.s32 $0x0, s1;
	[tilespmem:s25+$0x16C10] =	vst v2  }
0x25c: {  	s0 =	sadd.s32 $0x10, s0;
	v2 =	vld [tilespmem:s1+$0x10B80]  }
0x25d: {  	s31 =	sand.u32 $0x7F, s0;
	s0 =	sshll.u32 s0, $0x2  }
0x25e: {  	s0 =	sand.u32 $0xFFFFFE00, s0;
	s1 =	sshll.u32 s31, $0x2  }
0x25f: {  	s0 =	sor.u32 s1, s0  }
0x260: {  	s1 =	sshra.s32 s0, $0x2;
	s0 =	spop (v2sf)  }
0x261: {  	s1 =	sadd.s32 $0x0, s1;
	[tilespmem:s0+$0x16C00] =	vst v2  }
0x262: {  	s28 =	smov.u32 s23;
	s29 =	smov.u32 s24;
	s26 =	simm.s32 $0x2000;
	v2 =	vld [tilespmem:s1+$0x10B80]  }
.LBB2_7:
0x263: {  	_ =	sdelay $0x3  }
0x264: {  	p0 =	sne.s32 s26, $0x18000;
	s28 =	sadd.s32 $0x10, s28;
	s29 =	sadd.s32 $0x10, s29;
	[tilespmem:s0+$0x16C10] =	vst v2  }
0x265: {  	s0 =	smov.u32 s26;
	s26 =	sadd.s32 $0x2000, s26;
	v3 =	vld [tilespmem:s28+$0x0];
	_ =	sdelay $0x4  }
0x266: {  	(v2sf) =	vpush v3, $0x0;
	_ =	sdelay $0x2  }
0x267: {  	(v2sf) =	vpush v3, $0x1;
	_ =	sdelay $0x1  }
0x268: {  	v2 =	vld [tilespmem:s29+$0x0];
	_ =	sdelay $0x3  }
0x269: {  	(v2sf) =	vpush v3, $0x2  }
0x26a: {  	(v2sf) =	vpush v2, $0x0;
	_ =	sdelay $0x4  }
0x26b: {  	s30 =	sshra.s32 s0, $0x2;
	s0 =	spop (v2sf);
	(v2sf) =	vpush v3, $0x3  }
0x26c: {  	s1 =	sand.u32 $0x7F, s0;
	s2 =	sshll.u32 s0, $0x2;
	s0 =	sadd.s32 $0x10, s0  }
0x26d: {  	s2 =	sand.u32 $0xFFFFFE00, s2;
	s1 =	sshll.u32 s1, $0x2;
	s3 =	sand.u32 $0x7F, s0  }
0x26e: {  	s0 =	sshll.u32 s0, $0x2;
	s1 =	sor.u32 s1, s2;
	s2 =	spop (v2sf)  }
0x26f: {  	s0 =	sand.u32 $0xFFFFFE00, s0;
	s1 =	sshra.s32 s1, $0x2;
	s4 =	sand.u32 $0x7F, s2  }
0x270: {  	s3 =	sshll.u32 s3, $0x2;
	s5 =	sshll.u32 s2, $0x2;
	s1 =	sadd.s32 s30, s1;
	(v2sf) =	vpush v3, $0x4  }
0x271: {  	s0 =	sor.u32 s3, s0;
	s3 =	sshll.u32 s4, $0x2;
	v4 =	vld [tilespmem:s1+$0x10400];
	s1 =	sand.u32 $0xFFFFFE00, s5  }
0x272: {  	s2 =	sadd.s32 $0x10, s2;
	s0 =	sshra.s32 s0, $0x2;
	s1 =	sor.u32 s3, s1;
	(v2sf) =	vpush v2, $0x1  }
0x273: {  	s3 =	sshra.s32 s1, $0x2;
	s1 =	sand.u32 $0x7F, s2;
	s2 =	sshll.u32 s2, $0x2  }
0x274: {  	s2 =	sand.u32 $0xFFFFFE00, s2;
	s1 =	sshll.u32 s1, $0x2;
	s4 =	spop (v2sf)  }
0x275: {  	s1 =	sor.u32 s1, s2;
	s2 =	sand.u32 $0x7F, s4;
	s5 =	spop (v2sf)  }
0x276: {  	s0 =	sadd.s32 s30, s0;
	[tilespmem:s5+$0x16C00] =	vst v4;
	s7 =	sshra.s32 s1, $0x2;
	s1 =	sshll.u32 s4, $0x2;
	(v2sf) =	vpush v3, $0x5  }
0x277: {  	v4 =	vld [tilespmem:s0+$0x10400];
	s0 =	sand.u32 $0xFFFFFE00, s1;
	s1 =	sshll.u32 s2, $0x2;
	s2 =	sadd.s32 $0x10, s4  }
0x278: {  	s0 =	sor.u32 s1, s0;
	s4 =	sand.u32 $0x7F, s2;
	s2 =	sshll.u32 s2, $0x2  }
0x279: {  	s1 =	sshra.s32 s0, $0x2;
	s0 =	sand.u32 $0xFFFFFE00, s2;
	s2 =	sshll.u32 s4, $0x2  }
0x27a: {  	s0 =	sor.u32 s2, s0;
	s2 =	spop (v2sf)  }
0x27b: {  	s0 =	sshra.s32 s0, $0x2;
	s4 =	sand.u32 $0x7F, s2;
	s6 =	sadd.s32 $0x10, s2  }
0x27c: {  	s3 =	sadd.s32 s30, s3;
	s2 =	sshll.u32 s2, $0x2;
	[tilespmem:s5+$0x16C10] =	vst v4;
	s0 =	sadd.s32 s30, s0;
	(v2sf) =	vpush v3, $0x6  }
0x27d: {  	s5 =	sshll.u32 s6, $0x2;
	v4 =	vld [tilespmem:s3+$0x10480];
	s3 =	sshll.u32 s4, $0x2;
	s4 =	sand.u32 $0x7F, s6  }
0x27e: {  	s2 =	sand.u32 $0xFFFFFE00, s2;
	s5 =	sand.u32 $0xFFFFFE00, s5;
	s4 =	sshll.u32 s4, $0x2;
	(v2sf) =	vpush v2, $0x2  }
0x27f: {  	s2 =	sor.u32 s3, s2;
	s3 =	sor.u32 s4, s5;
	s4 =	spop (v2sf)  }
0x280: {  	s2 =	sshra.s32 s2, $0x2;
	s3 =	sshra.s32 s3, $0x2;
	s5 =	sand.u32 $0x7F, s4  }
0x281: {  	s6 =	sadd.s32 s30, s3;
	s3 =	sshll.u32 s5, $0x2;
	s8 =	spop (v2sf);
	(v2sf) =	vpush v3, $0x7  }
0x282: {  	s5 =	sadd.s32 s30, s7;
	s7 =	sshll.u32 s4, $0x2;
	s4 =	sadd.s32 $0x10, s4;
	[tilespmem:s8+$0x16C00] =	vst v4  }
0x283: {  	s9 =	sand.u32 $0x7F, s4;
	s4 =	sshll.u32 s4, $0x2;
	v4 =	vld [tilespmem:s5+$0x10480];
	s5 =	sand.u32 $0xFFFFFE00, s7  }
0x284: {  	s7 =	sadd.s32 s30, s2;
	s2 =	sor.u32 s3, s5;
	s3 =	sand.u32 $0xFFFFFE00, s4  }
0x285: {  	s4 =	sshll.u32 s9, $0x2;
	s2 =	sshra.s32 s2, $0x2;
	s9 =	spop (v2sf);
	(v2sf) =	vpush v3, $0x8  }
0x286: {  	s5 =	sadd.s32 s30, s2;
	s2 =	sor.u32 s4, s3;
	s3 =	sand.u32 $0x7F, s9  }
0x287: {  	s10 =	sshll.u32 s9, $0x2;
	s9 =	sadd.s32 $0x10, s9;
	s2 =	sshra.s32 s2, $0x2  }
0x288: {  	s1 =	sadd.s32 s30, s1;
	[tilespmem:s8+$0x16C10] =	vst v4;
	s4 =	sadd.s32 s30, s2;
	s2 =	sand.u32 $0xFFFFFE00, s10  }
0x289: {  	s8 =	sshll.u32 s9, $0x2;
	v4 =	vld [tilespmem:s1+$0x10500];
	s1 =	sshll.u32 s3, $0x2;
	s3 =	sand.u32 $0x7F, s9  }
0x28a: {  	s1 =	sor.u32 s1, s2;
	s2 =	sand.u32 $0xFFFFFE00, s8;
	s3 =	sshll.u32 s3, $0x2;
	(v2sf) =	vpush v2, $0x3  }
0x28b: {  	s1 =	sshra.s32 s1, $0x2;
	s3 =	sor.u32 s3, s2;
	s8 =	spop (v2sf);
	(v2sf) =	vpush v3, $0x9  }
0x28c: {  	s2 =	sadd.s32 s30, s1;
	s1 =	sshra.s32 s3, $0x2;
	s3 =	sadd.s32 $0x10, s8  }
0x28d: {  	s16 =	sadd.s32 s30, s1;
	s1 =	sand.u32 $0x7F, s8;
	s9 =	spop (v2sf)  }
0x28e: {  	s10 =	sand.u32 $0x7F, s3;
	s3 =	sshll.u32 s3, $0x2;
	[tilespmem:s9+$0x16C00] =	vst v4;
	s1 =	sshll.u32 s1, $0x2  }
0x28f: {  	s3 =	sand.u32 $0xFFFFFE00, s3;
	v4 =	vld [tilespmem:s0+$0x10500];
	s0 =	sshll.u32 s8, $0x2;
	s8 =	sshll.u32 s10, $0x2  }
0x290: {  	s0 =	sand.u32 $0xFFFFFE00, s0;
	s3 =	sor.u32 s8, s3;
	s8 =	spop (v2sf)  }
0x291: {  	s0 =	sor.u32 s1, s0;
	s1 =	sshra.s32 s3, $0x2;
	s3 =	sshll.u32 s8, $0x2  }
0x292: {  	s10 =	sand.u32 $0x7F, s8;
	s0 =	sshra.s32 s0, $0x2;
	s1 =	sadd.s32 s30, s1;
	(v2sf) =	vpush v3, $0xA  }
0x293: {  	s14 =	sadd.s32 s30, s0;
	s0 =	sand.u32 $0xFFFFFE00, s3;
	s3 =	sshll.u32 s10, $0x2  }
0x294: {  	[tilespmem:s9+$0x16C10] =	vst v4;
	s0 =	sor.u32 s3, s0;
	s3 =	sadd.s32 $0x10, s8;
	s8 =	spop (v2sf)  }
0x295: {  	v4 =	vld [tilespmem:s7+$0x10580];
	s0 =	sshra.s32 s0, $0x2;
	s7 =	sand.u32 $0x7F, s3;
	s3 =	sshll.u32 s3, $0x2  }
0x296: {  	s31 =	sadd.s32 s30, s0;
	s0 =	sand.u32 $0xFFFFFE00, s3;
	s3 =	sshll.u32 s7, $0x2;
	(v2sf) =	vpush v2, $0x4  }
0x297: {  	s7 =	sshll.u32 s8, $0x2;
	s0 =	sor.u32 s3, s0;
	s3 =	sand.u32 $0x7F, s8;
	(v2sf) =	vpush v3, $0xB  }
0x298: {  	s7 =	sand.u32 $0xFFFFFE00, s7;
	s0 =	sshra.s32 s0, $0x2;
	s3 =	sshll.u32 s3, $0x2  }
0x299: {  	s0 =	sadd.s32 s30, s0;
	s3 =	sor.u32 s3, s7;
	s7 =	spop (v2sf)  }
0x29a: {  	s8 =	sadd.s32 $0x10, s8;
	[tilespmem:s7+$0x16C00] =	vst v4;
	s3 =	sshra.s32 s3, $0x2;
	s9 =	spop (v2sf)  }
0x29b: {  	v4 =	vld [tilespmem:s6+$0x10580];
	s11 =	sadd.s32 s30, s3;
	s3 =	sand.u32 $0x7F, s8;
	s6 =	sshll.u32 s8, $0x2;
	(v2sf) =	vpush v3, $0xC  }
0x29c: {  	s8 =	sadd.s32 $0x10, s9;
	s6 =	sand.u32 $0xFFFFFE00, s6;
	s3 =	sshll.u32 s3, $0x2  }
0x29d: {  	s3 =	sor.u32 s3, s6;
	s6 =	sand.u32 $0x7F, s8;
	s8 =	sshll.u32 s8, $0x2  }
0x29e: {  	s3 =	sshra.s32 s3, $0x2;
	s8 =	sand.u32 $0xFFFFFE00, s8;
	s6 =	sshll.u32 s6, $0x2  }
0x29f: {  	s15 =	sadd.s32 s30, s3;
	s3 =	sand.u32 $0x7F, s9;
	s9 =	sshll.u32 s9, $0x2  }
0x2a0: {  	s6 =	sor.u32 s6, s8;
	[tilespmem:s7+$0x16C10] =	vst v4;
	s7 =	sand.u32 $0xFFFFFE00, s9;
	s3 =	sshll.u32 s3, $0x2;
	(v2sf) =	vpush v3, $0xD  }
0x2a1: {  	v4 =	vld [tilespmem:s5+$0x10600];
	s7 =	sor.u32 s3, s7;
	s3 =	sshra.s32 s6, $0x2;
	s5 =	spop (v2sf)  }
0x2a2: {  	s12 =	sadd.s32 s30, s3;
	s3 =	sand.u32 $0x7F, s5;
	s6 =	sadd.s32 $0x10, s5;
	(v2sf) =	vpush v2, $0x5  }
0x2a3: {  	s5 =	sshll.u32 s5, $0x2;
	s8 =	sand.u32 $0x7F, s6;
	s6 =	sshll.u32 s6, $0x2  }
0x2a4: {  	s5 =	sand.u32 $0xFFFFFE00, s5;
	s6 =	sand.u32 $0xFFFFFE00, s6;
	s8 =	sshll.u32 s8, $0x2  }
0x2a5: {  	s3 =	sshll.u32 s3, $0x2;
	s6 =	sor.u32 s8, s6;
	s9 =	spop (v2sf)  }
0x2a6: {  	s3 =	sor.u32 s3, s5;
	[tilespmem:s9+$0x16C00] =	vst v4;
	s5 =	sshra.s32 s6, $0x2;
	s10 =	spop (v2sf)  }
0x2a7: {  	s3 =	sshra.s32 s3, $0x2;
	v4 =	vld [tilespmem:s4+$0x10600];
	s6 =	sadd.s32 s30, s5;
	s4 =	sadd.s32 $0x10, s10  }
0x2a8: {  	s8 =	sadd.s32 s30, s3;
	s3 =	sshll.u32 s10, $0x2;
	s5 =	sand.u32 $0x7F, s4;
	(v2sf) =	vpush v3, $0xE  }
0x2a9: {  	s10 =	sand.u32 $0x7F, s10;
	s4 =	sshll.u32 s4, $0x2;
	s5 =	sshll.u32 s5, $0x2  }
0x2aa: {  	s10 =	sshll.u32 s10, $0x2;
	s4 =	sand.u32 $0xFFFFFE00, s4;
	s18 =	spop (v2sf)  }
0x2ab: {  	s3 =	sand.u32 $0xFFFFFE00, s3;
	s4 =	sor.u32 s5, s4;
	s5 =	sand.u32 $0x7F, s18  }
0x2ac: {  	s3 =	sor.u32 s10, s3;
	s4 =	sshra.s32 s4, $0x2;
	[tilespmem:s9+$0x16C10] =	vst v4;
	s9 =	sshll.u32 s18, $0x2  }
0x2ad: {  	s5 =	sshll.u32 s5, $0x2;
	v4 =	vld [tilespmem:s2+$0x10680];
	s2 =	sshra.s32 s3, $0x2;
	s3 =	sand.u32 $0xFFFFFE00, s9;
	(v2sf) =	vpush v3, $0xF  }
0x2ae: {  	s9 =	sadd.s32 s30, s4;
	s17 =	sadd.s32 s30, s2;
	s2 =	sor.u32 s5, s3;
	(v2sf) =	vpush v2, $0x6  }
0x2af: {  	s3 =	sadd.s32 $0x10, s18;
	s2 =	sshra.s32 s2, $0x2;
	s4 =	spop (v2sf)  }
0x2b0: {  	s19 =	sadd.s32 s30, s2;
	s2 =	sand.u32 $0x7F, s3;
	s3 =	sshll.u32 s3, $0x2  }
0x2b1: {  	s3 =	sand.u32 $0xFFFFFE00, s3;
	s2 =	sshll.u32 s2, $0x2;
	s5 =	spop (v2sf)  }
0x2b2: {  	s10 =	sshll.u32 s4, $0x2;
	[tilespmem:s5+$0x16C00] =	vst v4;
	s2 =	sor.u32 s2, s3;
	s3 =	sand.u32 $0x7F, s4  }
0x2b3: {  	s10 =	sand.u32 $0xFFFFFE00, s10;
	v3 =	vld [tilespmem:s16+$0x10680];
	s2 =	sshra.s32 s2, $0x2;
	s3 =	sshll.u32 s3, $0x2  }
0x2b4: {  	s4 =	sadd.s32 $0x10, s4;
	s2 =	sadd.s32 s30, s2;
	s3 =	sor.u32 s3, s10  }
0x2b5: {  	s10 =	sand.u32 $0x7F, s4;
	s4 =	sshll.u32 s4, $0x2;
	s3 =	sshra.s32 s3, $0x2  }
0x2b6: {  	s16 =	sadd.s32 s30, s3;
	s3 =	sand.u32 $0xFFFFFE00, s4;
	s4 =	sshll.u32 s10, $0x2  }
0x2b7: {  	s3 =	sor.u32 s4, s3;
	s4 =	spop (v2sf)  }
0x2b8: {  	[tilespmem:s5+$0x16C10] =	vst v3;
	s3 =	sshra.s32 s3, $0x2;
	s5 =	sand.u32 $0x7F, s4;
	s10 =	sadd.s32 $0x10, s4  }
0x2b9: {  	v3 =	vld [tilespmem:s14+$0x10700];
	s14 =	sadd.s32 s30, s3;
	s3 =	sand.u32 $0x7F, s10;
	s10 =	sshll.u32 s10, $0x2  }
0x2ba: {  	s4 =	sshll.u32 s4, $0x2;
	s10 =	sand.u32 $0xFFFFFE00, s10;
	s3 =	sshll.u32 s3, $0x2;
	(v2sf) =	vpush v2, $0x7  }
0x2bb: {  	s4 =	sand.u32 $0xFFFFFE00, s4;
	s5 =	sshll.u32 s5, $0x2;
	s3 =	sor.u32 s3, s10  }
0x2bc: {  	s4 =	sor.u32 s5, s4;
	s3 =	sshra.s32 s3, $0x2;
	s5 =	spop (v2sf)  }
0x2bd: {  	s4 =	sshra.s32 s4, $0x2;
	s10 =	sshll.u32 s5, $0x2;
	s21 =	spop (v2sf)  }
0x2be: {  	s18 =	sadd.s32 s30, s4;
	[tilespmem:s21+$0x16C00] =	vst v3;
	s4 =	sand.u32 $0xFFFFFE00, s10;
	s10 =	sadd.s32 $0x10, s5  }
0x2bf: {  	v3 =	vld [tilespmem:s1+$0x10700];
	s1 =	sand.u32 $0x7F, s5;
	s5 =	sand.u32 $0x7F, s10;
	s10 =	sshll.u32 s10, $0x2  }
0x2c0: {  	s1 =	sshll.u32 s1, $0x2;
	s10 =	sand.u32 $0xFFFFFE00, s10;
	s25 =	sshll.u32 s5, $0x2  }
0x2c1: {  	s5 =	sadd.s32 s30, s3;
	s1 =	sor.u32 s1, s4;
	s3 =	sor.u32 s25, s10  }
0x2c2: {  	s1 =	sshra.s32 s1, $0x2;
	s3 =	sshra.s32 s3, $0x2  }
0x2c3: {  	s4 =	sadd.s32 s30, s1;
	s1 =	sadd.s32 s30, s3  }
0x2c4: {  	[tilespmem:s21+$0x16C10] =	vst v3  }
0x2c5: {  	v3 =	vld [tilespmem:s31+$0x10780]  }
0x2c6: {  	(v2sf) =	vpush v2, $0x8;
	_ =	sdelay $0x2  }
0x2c7: {  	s3 =	spop (v2sf)  }
0x2c8: {  	[tilespmem:s3+$0x16C00] =	vst v3  }
0x2c9: {  	v3 =	vld [tilespmem:s0+$0x10780];
	_ =	sdelay $0x4  }
0x2ca: {  	[tilespmem:s3+$0x16C10] =	vst v3  }
0x2cb: {  	v3 =	vld [tilespmem:s11+$0x10800]  }
0x2cc: {  	(v2sf) =	vpush v2, $0x9;
	_ =	sdelay $0x2  }
0x2cd: {  	s0 =	spop (v2sf)  }
0x2ce: {  	[tilespmem:s0+$0x16C00] =	vst v3  }
0x2cf: {  	v3 =	vld [tilespmem:s15+$0x10800];
	_ =	sdelay $0x3  }
0x2d0: {  	s3 =	sshra.s32 s7, $0x2  }
0x2d1: {  	[tilespmem:s0+$0x16C10] =	vst v3;
	s0 =	sadd.s32 s30, s3  }
0x2d2: {  	v3 =	vld [tilespmem:s0+$0x10880]  }
0x2d3: {  	(v2sf) =	vpush v2, $0xA;
	_ =	sdelay $0x2  }
0x2d4: {  	s0 =	spop (v2sf)  }
0x2d5: {  	[tilespmem:s0+$0x16C00] =	vst v3  }
0x2d6: {  	v3 =	vld [tilespmem:s12+$0x10880];
	_ =	sdelay $0x4  }
0x2d7: {  	[tilespmem:s0+$0x16C10] =	vst v3  }
0x2d8: {  	v3 =	vld [tilespmem:s8+$0x10900]  }
0x2d9: {  	(v2sf) =	vpush v2, $0xB;
	_ =	sdelay $0x2  }
0x2da: {  	s0 =	spop (v2sf)  }
0x2db: {  	[tilespmem:s0+$0x16C00] =	vst v3  }
0x2dc: {  	v3 =	vld [tilespmem:s6+$0x10900];
	_ =	sdelay $0x4  }
0x2dd: {  	[tilespmem:s0+$0x16C10] =	vst v3  }
0x2de: {  	v3 =	vld [tilespmem:s17+$0x10980]  }
0x2df: {  	(v2sf) =	vpush v2, $0xC;
	_ =	sdelay $0x2  }
0x2e0: {  	s0 =	spop (v2sf)  }
0x2e1: {  	[tilespmem:s0+$0x16C00] =	vst v3  }
0x2e2: {  	v3 =	vld [tilespmem:s9+$0x10980];
	_ =	sdelay $0x4  }
0x2e3: {  	[tilespmem:s0+$0x16C10] =	vst v3  }
0x2e4: {  	v3 =	vld [tilespmem:s19+$0x10A00]  }
0x2e5: {  	(v2sf) =	vpush v2, $0xD;
	_ =	sdelay $0x2  }
0x2e6: {  	s0 =	spop (v2sf)  }
0x2e7: {  	[tilespmem:s0+$0x16C00] =	vst v3  }
0x2e8: {  	v3 =	vld [tilespmem:s2+$0x10A00];
	_ =	sdelay $0x4  }
0x2e9: {  	[tilespmem:s0+$0x16C10] =	vst v3  }
0x2ea: {  	v3 =	vld [tilespmem:s16+$0x10A80]  }
0x2eb: {  	(v2sf) =	vpush v2, $0xE;
	_ =	sdelay $0x2  }
0x2ec: {  	s0 =	spop (v2sf)  }
0x2ed: {  	[tilespmem:s0+$0x16C00] =	vst v3  }
0x2ee: {  	v3 =	vld [tilespmem:s14+$0x10A80];
	_ =	sdelay $0x4  }
0x2ef: {  	[tilespmem:s0+$0x16C10] =	vst v3  }
0x2f0: {  	v3 =	vld [tilespmem:s18+$0x10B00]  }
0x2f1: {  	(v2sf) =	vpush v2, $0xF;
	_ =	sdelay $0x2  }
0x2f2: {  	s0 =	spop (v2sf)  }
0x2f3: {  	[tilespmem:s0+$0x16C00] =	vst v3  }
0x2f4: {  	v2 =	vld [tilespmem:s5+$0x10B00];
	_ =	sdelay $0x4  }
0x2f5: {  	[tilespmem:s0+$0x16C10] =	vst v2  }
0x2f6: {  	v2 =	vld [tilespmem:s4+$0x10B80];
	_ =	sdelay $0x1  }
.Ltmp2:
0x2f7: {  	(pc) =	sbr.rel @p0 .LBB2_7-.Ltmp2, $4  }
0x2f8: {  	_ = 	snop  }
0x2f9: {  	s0 =	spop (v2sf)  }
0x2fa: {  	[tilespmem:s0+$0x16C00] =	vst v2  }
0x2fb: {  	v2 =	vld [tilespmem:s1+$0x10B80]  }
0x2fc: {  	s1 =	rddreg [dreg:$0xb]  }
0x2fd: {  	s2 =	rddreg [dreg:$0x4];
	s1 =	sshll.u32 s1, $0x3  }
0x2fe: {  	s1 =	sadd.s32 s2, s1  }
0x2ff: {  	s20 =	sadd.s32 $0x1, s20;
	s1 =	smul.u32 $0x70, s1  }
0x300: {  	s29 =	rddreg [dreg:$0x3];
	s30 =	simm.s32 $0x0;
	p0 =	sne.s32 s20, $0x20  }
.Ltmp3:
0x301: {  	s31 =	simm.s32 $0x3;
	[tilespmem:s0+$0x16C10] =	vst v2;
	s0 =	sadd.s32 s29, s1;
	(pc) =	sbr.rel @p0 .LBB2_4-.Ltmp3, $4  }
0x302: {  	[hbm4b:s0+s30] =	stream.linear.scatter [tilespmem:s13], [sflag:$0x3], $0x1C00, $0x38;
	[tilespmem:$0x18800] =	vst v63  }
0x303: {  	s22 =	sadd.s32 $0x1A0, s22;
	_ =	swait.ge [sflag:s31], $0x1C00  }
0x304: {  	s23 =	sadd.s32 $0x1A0, s23;
	[sflag:s31] =	ssyncset.done $0x0;
	s28 =	rddreg [dreg:$0xa]  }
0x305: {  	s24 =	sadd.s32 $0x1A0, s24;
	[sflag:s31] =	ssyncadd.s32 $0xFFFFE400;
	s28 =	sadd.s32 $0x1A0, s28  }
0x306: {  	s1 =	rddreg [dreg:$0x9]  }
0x307: {  	s0 =	rddreg [dreg:$0x8];
	s1 =	sadd.s32 $0x1, s1  }
0x308: {  	p0 =	sne.s32 s1, s0  }
.Ltmp4:
0x309: {  	_ = 	snop;
	(pc) =	sbr.rel @p0 .LBB2_1-.Ltmp4, $1  }
0x30a: {  	_ =	sdelay $0x3  }
0x30b: {  	_ =	sfence.sel $0x180000  }
0x30c: {  	[bflag:$0x0] =	sbarrier.arrive $0xFFFF  }
0x30d: {  	_ =	strace $0x90000047  }
0x30e: {  	s0 =	stileid.u32;
	[bflag:$0x2] =	sbarrier.arrive $0xFFFF  }
0x30f: {  	p0 =	sne.s32 s0, $0x0;
	s0 =	rddreg [dreg:$0x1]  }
0x310: {  	s0 =	sadd.s32 @!p0 $0x100000, s0  }
0x311: {  	[sflag:s0] =	ssyncadd.tile.s32 @!p0 $0x1;
	_ =	shalt  }
.Lfunc_end2:
_tile_overlayer_lowered:
.L_overlay_start_2:
0x312: {  	(tag) =	ssettag $0x2  }
0x313: {  	s0 =	rddreg [dreg:$0x0];
	s2 =	stileid.u32  }
0x314: {  	s1 =	rddreg [dreg:$0x1];
	p0 =	sne.s32 s2, $0x0  }
0x315: {  	s3 =	rddreg [dreg:$0x2];
	[bflag:$0x3] =	sbarrier.arrive $0xFFFF;
	s2 =	simm.s32 @!p0 $0x1C03  }
0x316: {  	[timem:s3], [sflag:s2] =	dma.local @!p0 [hbm:s0], s1  }
0x317: {  	s0 =	simm.s32 @!p0 $0x3  }
0x318: {  	_ =	swait.ge @!p0 [sflag:s0], s1  }
0x319: {  	s1 =	ssub.s32 @!p0 $0x0, s1;
	[sflag:s0] =	ssyncset.done @!p0 $0x0  }
0x31a: {  	[sflag:s0] =	ssyncadd.s32 @!p0 s1  }
0x31b: {  	[bflag:$0x3] =	sbarrier.arrive $0xFFFF  }
0x31c: {  	_ =	shalt  }

</sc_bundles>
